<compile_context>
chip_gen: v7x
topology: tpu7x:2x2x1
jax: 0.10.2.dev20260603
libtpu: 0.0.44.dev20260713+nightly
codegen_flags: <defaults>
</compile_context>

<pallas_src>
import functools

import jax
import jax.numpy as jnp
from jax import lax
from jax.experimental import pallas as pl

N = 10000
NP = 10240
E = 320000
G = 64
F0 = 128
H1 = 256
H2 = 512
BI = 256
BK = 2048
NI = NP // BI
NJ = NP // BK
RATIO = 0.5
EPS = 1e-5
F32 = jnp.float32


def _k_amm(a_ref, x_ref, o_ref, *, nj):
    j = pl.program_id(1)
    part = jnp.dot(a_ref[...], x_ref[...], preferred_element_type=F32)

    @pl.when(j == 0)
    def _():
        o_ref[...] = part

    @pl.when(j > 0)
    def _():
        o_ref[...] += part


def _amm(A, Xa, width):
    return pl.pallas_call(
        functools.partial(_k_amm, nj=NJ),
        grid=(NI, NJ),
        in_specs=[
            pl.BlockSpec((BI, BK), lambda i, j: (i, j)),
            pl.BlockSpec((BK, width), lambda i, j: (j, 0)),
        ],
        out_specs=pl.BlockSpec((BI, width), lambda i, j: (i, 0)),
        out_shape=jax.ShapeDtypeStruct((NP, width), F32),
    )(A, Xa)


def _k_lin1(c_ref, x_ref, wl_ref, wr_ref, b_ref, z_ref, s_ref, q_ref, *, ni):
    i = pl.program_id(0)
    c = c_ref[...]
    aggr = c[:, :F0]
    deg = c[:, F0:F0 + 1]
    aggrn = aggr / jnp.maximum(deg, 1.0)
    z = (jnp.dot(aggrn, wl_ref[...], preferred_element_type=F32)
         + jnp.dot(x_ref[...], wr_ref[...], preferred_element_type=F32)
         + b_ref[...])
    row = i * BI + lax.broadcasted_iota(jnp.int32, (BI, 1), 0)
    z = jnp.where(row < N, z, 0.0)
    z_ref[...] = z

    @pl.when(i == 0)
    def _():
        s_ref[...] = jnp.zeros_like(s_ref)
        q_ref[...] = jnp.zeros_like(q_ref)

    s_ref[...] += jnp.sum(z, axis=0, keepdims=True)
    q_ref[...] += jnp.sum(z * z, axis=0, keepdims=True)


def _lin1(C1, xp, W1l, W1r, b1):
    return pl.pallas_call(
        functools.partial(_k_lin1, ni=NI),
        grid=(NI,),
        in_specs=[
            pl.BlockSpec((BI, H1), lambda i: (i, 0)),
            pl.BlockSpec((BI, F0), lambda i: (i, 0)),
            pl.BlockSpec((F0, H1), lambda i: (0, 0)),
            pl.BlockSpec((F0, H1), lambda i: (0, 0)),
            pl.BlockSpec((1, H1), lambda i: (0, 0)),
        ],
        out_specs=[
            pl.BlockSpec((BI, H1), lambda i: (i, 0)),
            pl.BlockSpec((1, H1), lambda i: (0, 0)),
            pl.BlockSpec((1, H1), lambda i: (0, 0)),
        ],
        out_shape=[
            jax.ShapeDtypeStruct((NP, H1), F32),
            jax.ShapeDtypeStruct((1, H1), F32),
            jax.ShapeDtypeStruct((1, H1), F32),
        ],
    )(C1, xp, W1l, W1r, b1)


def _k_bn1(z_ref, s_ref, q_ref, g_ref, be_ref, wl_ref, wr_ref,
           h_ref, v_ref, u_ref):
    mu = s_ref[...] / N
    var = q_ref[...] / N - mu * mu
    rstd = lax.rsqrt(var + EPS)
    h = jnp.maximum((z_ref[...] - mu) * rstd * g_ref[...] + be_ref[...], 0.0)
    h_ref[...] = h
    v_ref[...] = jnp.dot(h, wl_ref[...], preferred_element_type=F32)
    u_ref[...] = jnp.dot(h, wr_ref[...], preferred_element_type=F32)


def _bn1(Z1, S1, Q1, g1, be1, p1_wl, p1_wr):
    return pl.pallas_call(
        _k_bn1,
        grid=(NI,),
        in_specs=[
            pl.BlockSpec((BI, H1), lambda i: (i, 0)),
            pl.BlockSpec((1, H1), lambda i: (0, 0)),
            pl.BlockSpec((1, H1), lambda i: (0, 0)),
            pl.BlockSpec((1, H1), lambda i: (0, 0)),
            pl.BlockSpec((1, H1), lambda i: (0, 0)),
            pl.BlockSpec((H1, 1), lambda i: (0, 0)),
            pl.BlockSpec((H1, 1), lambda i: (0, 0)),
        ],
        out_specs=[
            pl.BlockSpec((BI, H1), lambda i: (i, 0)),
            pl.BlockSpec((BI, 1), lambda i: (i, 0)),
            pl.BlockSpec((BI, 1), lambda i: (i, 0)),
        ],
        out_shape=[
            jax.ShapeDtypeStruct((NP, H1), F32),
            jax.ShapeDtypeStruct((NP, 1), F32),
            jax.ShapeDtypeStruct((NP, 1), F32),
        ],
    )(Z1, S1, Q1, g1, be1, p1_wl, p1_wr)


def _k_matvec(a_ref, v_ref, u_ref, m_ref, b_ref, o_ref, *, nj):
    j = pl.program_id(1)
    part = jnp.dot(a_ref[...], v_ref[...], preferred_element_type=F32)

    @pl.when(j == 0)
    def _():
        o_ref[...] = part

    @pl.when(j > 0)
    def _():
        o_ref[...] += part

    @pl.when(j == nj - 1)
    def _():
        o_ref[...] = m_ref[...] * o_ref[...] + u_ref[...] + b_ref[...]


def _score(A, v, u, m, b):
    return pl.pallas_call(
        functools.partial(_k_matvec, nj=NJ),
        grid=(NI, NJ),
        in_specs=[
            pl.BlockSpec((BI, BK), lambda i, j: (i, j)),
            pl.BlockSpec((BK, 1), lambda i, j: (j, 0)),
            pl.BlockSpec((BI, 1), lambda i, j: (i, 0)),
            pl.BlockSpec((BI, 1), lambda i, j: (i, 0)),
            pl.BlockSpec((1, 1), lambda i, j: (0, 0)),
        ],
        out_specs=pl.BlockSpec((BI, 1), lambda i, j: (i, 0)),
        out_shape=jax.ShapeDtypeStruct((NP, 1), F32),
    )(A, v, u, m, b)


def _k_topk(sc_ref, tc_ref, bc_ref, mc_ref, sr_ref, tr_ref, br_ref, mr_ref,
            rank_ref, cnt_ref, keep_ref, *, nj):
    i = pl.program_id(0)
    j = pl.program_id(1)

    @pl.when(j == 0)
    def _():
        rank_ref[...] = jnp.zeros_like(rank_ref)
        cnt_ref[...] = jnp.zeros_like(cnt_ref)

    bi = bc_ref[...]
    bj = br_ref[0]
    overlap = (jnp.min(bj) <= jnp.max(bi)) & (jnp.max(bj) >= jnp.min(bi))

    @pl.when(overlap)
    def _():
        si = sc_ref[...]
        sj = sr_ref[0]
        ti = tc_ref[...]
        tj = tr_ref[0]
        mj = mr_ref[0] > 0.0
        ii = i * BI + lax.broadcasted_iota(jnp.int32, (BI, 1), 0)
        jj = j * BK + lax.broadcasted_iota(jnp.int32, (1, BK), 1)
        sg = (bi == bj) & mj
        gt = sj > si
        eq = sj == si
        tgt = tj > ti
        teq = tj == ti
        prec = gt | (eq & (tgt | (teq & (jj < ii))))
        rank_ref[...] += jnp.sum(jnp.where(sg & prec, 1.0, 0.0), axis=1, keepdims=True)
        cnt_ref[...] += jnp.sum(jnp.where(sg, 1.0, 0.0), axis=1, keepdims=True)

    @pl.when(j == nj - 1)
    def _():
        k = jnp.ceil(RATIO * cnt_ref[...])
        keep_ref[...] = jnp.where((mc_ref[...] > 0.0) & (rank_ref[...] < k),
                                  1.0, 0.0)


def _topk(s, t, batch_c, m):
    s_r = s.reshape(NJ, 1, BK)
    t_r = t.reshape(NJ, 1, BK)
    b_r = batch_c.reshape(NJ, 1, BK)
    m_r = m.reshape(NJ, 1, BK)
    col = lambda i, j: (i, 0)
    row = lambda i, j: (j, 0, 0)
    outs = pl.pallas_call(
        functools.partial(_k_topk, nj=NJ),
        grid=(NI, NJ),
        in_specs=[
            pl.BlockSpec((BI, 1), col),
            pl.BlockSpec((BI, 1), col),
            pl.BlockSpec((BI, 1), col),
            pl.BlockSpec((BI, 1), col),
            pl.BlockSpec((1, 1, BK), row),
            pl.BlockSpec((1, 1, BK), row),
            pl.BlockSpec((1, 1, BK), row),
            pl.BlockSpec((1, 1, BK), row),
        ],
        out_specs=[
            pl.BlockSpec((BI, 1), col),
            pl.BlockSpec((BI, 1), col),
            pl.BlockSpec((BI, 1), col),
        ],
        out_shape=[
            jax.ShapeDtypeStruct((NP, 1), F32),
            jax.ShapeDtypeStruct((NP, 1), F32),
            jax.ShapeDtypeStruct((NP, 1), F32),
        ],
    )(s, t, batch_c, m, s_r, t_r, b_r, m_r)
    return outs[2]


def _k_aggr2(a_ref, h_ref, s1_ref, k1j_ref, k1r_ref, k1i_ref, ag_ref, dm_ref, *, nj):
    j = pl.program_id(1)
    a = a_ref[...]
    w = k1j_ref[...] * jnp.tanh(s1_ref[...])
    hm = h_ref[...] * w
    part = jnp.dot(a, hm, preferred_element_type=F32)
    dpart = jnp.sum(a * k1r_ref[0], axis=1, keepdims=True)

    @pl.when(j == 0)
    def _():
        ag_ref[...] = part
        dm_ref[...] = dpart

    @pl.when(j > 0)
    def _():
        ag_ref[...] += part
        dm_ref[...] += dpart

    @pl.when(j == nj - 1)
    def _():
        mi = k1i_ref[...]
        degm = mi * dm_ref[...]
        ag_ref[...] = mi * ag_ref[...] / jnp.maximum(degm, 1.0)


def _aggr2(A, h, s1, keep1):
    k1_r = keep1.reshape(NJ, 1, BK)
    return pl.pallas_call(
        functools.partial(_k_aggr2, nj=NJ),
        grid=(NI, NJ),
        in_specs=[
            pl.BlockSpec((BI, BK), lambda i, j: (i, j)),
            pl.BlockSpec((BK, H1), lambda i, j: (j, 0)),
            pl.BlockSpec((BK, 1), lambda i, j: (j, 0)),
            pl.BlockSpec((BK, 1), lambda i, j: (j, 0)),
            pl.BlockSpec((1, 1, BK), lambda i, j: (j, 0, 0)),
            pl.BlockSpec((BI, 1), lambda i, j: (i, 0)),
        ],
        out_specs=[
            pl.BlockSpec((BI, H1), lambda i, j: (i, 0)),
            pl.BlockSpec((BI, 1), lambda i, j: (i, 0)),
        ],
        out_shape=[
            jax.ShapeDtypeStruct((NP, H1), F32),
            jax.ShapeDtypeStruct((NP, 1), F32),
        ],
    )(A, h, s1, keep1, k1_r, keep1)


def _k_lin2(ag_ref, h_ref, s1_ref, k1_ref, wl_ref, wr_ref, b_ref,
            z_ref, s_ref, q_ref, c_ref):
    i = pl.program_id(0)
    k1 = k1_ref[...]
    hm = h_ref[...] * (k1 * jnp.tanh(s1_ref[...]))
    z = (jnp.dot(ag_ref[...], wl_ref[...], preferred_element_type=F32)
         + jnp.dot(hm, wr_ref[...], preferred_element_type=F32)
         + b_ref[...])
    z_ref[...] = z

    @pl.when(i == 0)
    def _():
        s_ref[...] = jnp.zeros_like(s_ref)
        q_ref[...] = jnp.zeros_like(q_ref)
        c_ref[...] = jnp.zeros_like(c_ref)

    s_ref[...] += jnp.sum(z * k1, axis=0, keepdims=True)
    q_ref[...] += jnp.sum(z * z * k1, axis=0, keepdims=True)
    c_ref[...] += jnp.sum(k1, axis=0, keepdims=True)


def _lin2(Ag, h, s1, keep1, W2l, W2r, b2):
    return pl.pallas_call(
        _k_lin2,
        grid=(NI,),
        in_specs=[
            pl.BlockSpec((BI, H1), lambda i: (i, 0)),
            pl.BlockSpec((BI, H1), lambda i: (i, 0)),
            pl.BlockSpec((BI, 1), lambda i: (i, 0)),
            pl.BlockSpec((BI, 1), lambda i: (i, 0)),
            pl.BlockSpec((H1, H2), lambda i: (0, 0)),
            pl.BlockSpec((H1, H2), lambda i: (0, 0)),
            pl.BlockSpec((1, H2), lambda i: (0, 0)),
        ],
        out_specs=[
            pl.BlockSpec((BI, H2), lambda i: (i, 0)),
            pl.BlockSpec((1, H2), lambda i: (0, 0)),
            pl.BlockSpec((1, H2), lambda i: (0, 0)),
            pl.BlockSpec((1, 1), lambda i: (0, 0)),
        ],
        out_shape=[
            jax.ShapeDtypeStruct((NP, H2), F32),
            jax.ShapeDtypeStruct((1, H2), F32),
            jax.ShapeDtypeStruct((1, H2), F32),
            jax.ShapeDtypeStruct((1, 1), F32),
        ],
    )(Ag, h, s1, keep1, W2l, W2r, b2)


def _k_bn2(z_ref, s_ref, q_ref, c_ref, g_ref, be_ref, wl_ref, wr_ref, k1_ref,
           h_ref, v_ref, u_ref):
    cnt = c_ref[...]
    mu = s_ref[...] / cnt
    var = q_ref[...] / cnt - mu * mu
    rstd = lax.rsqrt(var + EPS)
    h = jnp.maximum((z_ref[...] - mu) * rstd * g_ref[...] + be_ref[...], 0.0)
    h_ref[...] = h
    v_ref[...] = jnp.dot(h * k1_ref[...], wl_ref[...], preferred_element_type=F32)
    u_ref[...] = jnp.dot(h, wr_ref[...], preferred_element_type=F32)


def _bn2(Z2, S2, Q2, C2, g2, be2, p2_wl, p2_wr, keep1):
    return pl.pallas_call(
        _k_bn2,
        grid=(NI,),
        in_specs=[
            pl.BlockSpec((BI, H2), lambda i: (i, 0)),
            pl.BlockSpec((1, H2), lambda i: (0, 0)),
            pl.BlockSpec((1, H2), lambda i: (0, 0)),
            pl.BlockSpec((1, 1), lambda i: (0, 0)),
            pl.BlockSpec((1, H2), lambda i: (0, 0)),
            pl.BlockSpec((1, H2), lambda i: (0, 0)),
            pl.BlockSpec((H2, 1), lambda i: (0, 0)),
            pl.BlockSpec((H2, 1), lambda i: (0, 0)),
            pl.BlockSpec((BI, 1), lambda i: (i, 0)),
        ],
        out_specs=[
            pl.BlockSpec((BI, H2), lambda i: (i, 0)),
            pl.BlockSpec((BI, 1), lambda i: (i, 0)),
            pl.BlockSpec((BI, 1), lambda i: (i, 0)),
        ],
        out_shape=[
            jax.ShapeDtypeStruct((NP, H2), F32),
            jax.ShapeDtypeStruct((NP, 1), F32),
            jax.ShapeDtypeStruct((NP, 1), F32),
        ],
    )(Z2, S2, Q2, C2, g2, be2, p2_wl, p2_wr, keep1)


def _k_final(h_ref, s2_ref, k2_ref, b_ref, w_ref, bl_ref,
             p_ref, c_ref, o_ref, *, ni):
    i = pl.program_id(0)

    @pl.when(i == 0)
    def _():
        p_ref[...] = jnp.zeros_like(p_ref)
        c_ref[...] = jnp.zeros_like(c_ref)

    w = k2_ref[...] * jnp.tanh(s2_ref[...])
    h3 = h_ref[...] * w
    grow = lax.broadcasted_iota(jnp.int32, (1, G), 1)
    ind = jnp.where(b_ref[...] == grow, 1.0, 0.0)
    dn = (((0,), (0,)), ((), ()))
    p_ref[...] += lax.dot_general(ind, h3, dn, preferred_element_type=F32)
    c_ref[...] += lax.dot_general(ind, k2_ref[...], dn, preferred_element_type=F32)

    @pl.when(i == ni - 1)
    def _():
        pooled = p_ref[...] / jnp.maximum(c_ref[...], 1.0)
        a = jnp.maximum(pooled, 0.0)
        out = jnp.dot(a, w_ref[...], preferred_element_type=F32) + bl_ref[...]
        lane = lax.broadcasted_iota(jnp.int32, (1, 128), 1)
        valid = lane < 2
        mx = jnp.max(jnp.where(valid, out, -jnp.inf), axis=1, keepdims=True)
        e = jnp.where(valid, jnp.exp(out - mx), 0.0)
        o_ref[...] = e / jnp.sum(e, axis=1, keepdims=True)


def _final(h2, s2, keep2, batch_c, Wlin_p, blin_p):
    outs = pl.pallas_call(
        functools.partial(_k_final, ni=NI),
        grid=(NI,),
        in_specs=[
            pl.BlockSpec((BI, H2), lambda i: (i, 0)),
            pl.BlockSpec((BI, 1), lambda i: (i, 0)),
            pl.BlockSpec((BI, 1), lambda i: (i, 0)),
            pl.BlockSpec((BI, 1), lambda i: (i, 0)),
            pl.BlockSpec((H2, 128), lambda i: (0, 0)),
            pl.BlockSpec((1, 128), lambda i: (0, 0)),
        ],
        out_specs=[
            pl.BlockSpec((G, H2), lambda i: (0, 0)),
            pl.BlockSpec((G, 1), lambda i: (0, 0)),
            pl.BlockSpec((G, 128), lambda i: (0, 0)),
        ],
        out_shape=[
            jax.ShapeDtypeStruct((G, H2), F32),
            jax.ShapeDtypeStruct((G, 1), F32),
            jax.ShapeDtypeStruct((G, 128), F32),
        ],
    )(h2, s2, keep2, batch_c, Wlin_p, blin_p)
    return outs[2]


def kernel(x, edge_index, batch, W1l, W1r, b1, g1, be1, p1_wl, p1_wr, p1_b,
           W2l, W2r, b2, g2, be2, p2_wl, p2_wr, p2_b, Wlin, blin):
    src, dst = edge_index[0], edge_index[1]
    A = jnp.zeros((NP, NP), F32).at[dst, src].add(1.0)

    xp = jnp.zeros((NP, F0), F32).at[:N].set(x)
    xa = jnp.zeros((NP, H1), F32).at[:N, :F0].set(x).at[:, F0].set(1.0)
    batch_c = jnp.concatenate(
        [batch, jnp.full((NP - N,), G, jnp.int32)]).reshape(NP, 1)
    ones_c = jnp.ones((NP, 1), F32)
    valid_c = jnp.concatenate(
        [jnp.ones((N, 1), F32), jnp.zeros((NP - N, 1), F32)])

    C1 = _amm(A, xa, H1)
    Z1, S1, Q1 = _lin1(C1, xp, W1l, W1r, b1.reshape(1, H1))
    h, v1, u1 = _bn1(Z1, S1, Q1, g1.reshape(1, H1), be1.reshape(1, H1),
                     p1_wl, p1_wr)

    s1 = _score(A, v1, u1, ones_c, p1_b.reshape(1, 1))
    keep1 = _topk(s1, jnp.zeros((NP, 1), F32), batch_c, valid_c)

    Ag, _ = _aggr2(A, h, s1, keep1)
    Z2, S2, Q2, C2 = _lin2(Ag, h, s1, keep1, W2l, W2r, b2.reshape(1, H2))
    h2, v2, u2 = _bn2(Z2, S2, Q2, C2, g2.reshape(1, H2), be2.reshape(1, H2),
                      p2_wl, p2_wr, keep1)

    s2 = _score(A, v2, u2, keep1, p2_b.reshape(1, 1))
    keep2 = _topk(s2, s1, batch_c, keep1)

    Wlin_p = jnp.zeros((H2, 128), F32).at[:, :2].set(Wlin)
    blin_p = jnp.zeros((1, 128), F32).at[0, :2].set(blin)
    out = _final(h2, s2, keep2, batch_c, Wlin_p, blin_p)
    return out[:, :2]

# --- scband reference (transcript-rebuilt; emitter-appended) ---
"""Pipeline reference for scband-net-26963804684991 (READ-ONLY COPY).

The authoritative reference and input builder live on the scoring server;
editing this copy changes nothing except your own understanding.
"""

import jax, jax.numpy as jnp
import numpy as np

N_NODES = 10000
N_EDGES = 320000
IN_FEATS = 128
HS1 = 256
HS2 = 512
NUM_CLASSES = 2
NUM_GRAPHS = 64


def _glorot(key, shape):
    return (jax.random.normal(key, shape, dtype=jnp.float32) / np.sqrt(shape[0])).astype(jnp.float32)


def setup_inputs(seed: int = 0):
    key = jax.random.key(seed)
    ks = jax.random.split(key, 16)
    x = jax.random.normal(ks[0], (N_NODES, IN_FEATS), dtype=jnp.float32)
    edge_index = jax.random.randint(ks[1], (2, N_EDGES), 0, N_NODES, dtype=jnp.int32)
    batch = jnp.sort(jax.random.randint(ks[2], (N_NODES,), 0, NUM_GRAPHS, dtype=jnp.int32))
    return {
        'x': x, 'edge_index': edge_index, 'batch': batch,
        'W1l': _glorot(ks[3], (IN_FEATS, HS1)), 'W1r': _glorot(ks[4], (IN_FEATS, HS1)), 'b1': jnp.zeros((HS1,), jnp.float32),
        'g1': jnp.ones((HS1,), jnp.float32), 'be1': jnp.zeros((HS1,), jnp.float32),
        'p1_wl': _glorot(ks[5], (HS1, 1)), 'p1_wr': _glorot(ks[6], (HS1, 1)), 'p1_b': jnp.zeros((1,), jnp.float32),
        'W2l': _glorot(ks[7], (HS1, HS2)), 'W2r': _glorot(ks[8], (HS1, HS2)), 'b2': jnp.zeros((HS2,), jnp.float32),
        'g2': jnp.ones((HS2,), jnp.float32), 'be2': jnp.zeros((HS2,), jnp.float32),
        'p2_wl': _glorot(ks[9], (HS2, 1)), 'p2_wr': _glorot(ks[10], (HS2, 1)), 'p2_b': jnp.zeros((1,), jnp.float32),
        'Wlin': _glorot(ks[11], (HS2, NUM_CLASSES)), 'blin': jnp.zeros((NUM_CLASSES,), jnp.float32),
    }


def _sage_conv(x, ei, Wl, Wr, b):
    src, dst = ei[0], ei[1]
    n = x.shape[0]
    ones = jnp.ones((src.shape[0],), jnp.float32)
    deg = jax.ops.segment_sum(ones, dst, num_segments=n)
    aggr = jax.ops.segment_sum(x[src], dst, num_segments=n) / jnp.clip(deg, 1.0)[:, None]
    return aggr @ Wl + x @ Wr + b


def _batch_norm(x, g, b, eps=1e-5):
    mu = x.mean(axis=0)
    var = x.var(axis=0)
    return (x - mu) / jnp.sqrt(var + eps) * g + b


def _graph_conv_score(x, ei, Wl, Wr, b):
    src, dst = ei[0], ei[1]
    n = x.shape[0]
    aggr = jax.ops.segment_sum(x[src], dst, num_segments=n)
    return (aggr @ Wl + x @ Wr + b)[:, 0]


def _masked_batch_norm(x, g, b, mask, eps=1e-5):
    m = mask.astype(x.dtype)[:, None]
    cnt = jnp.sum(m)
    mu = jnp.sum(x * m, axis=0) / cnt
    var = jnp.sum(((x - mu) ** 2) * m, axis=0) / cnt
    return (x - mu) / jnp.sqrt(var + eps) * g + b


def _masked_topk_mask(score, s_tie, batch, node_mask, starts, ratio):
    n = score.shape[0]
    s_eff = jnp.where(node_mask, score, -jnp.inf)
    order = jnp.lexsort((-s_tie, -s_eff, batch))
    rank = jnp.arange(n, dtype=jnp.int32) - starts[batch[order]]
    kept_counts = jax.ops.segment_sum(node_mask.astype(jnp.float32), batch, num_segments=NUM_GRAPHS)
    k = jnp.ceil(ratio * kept_counts).astype(jnp.int32)
    keep_sorted = rank < k[batch[order]]
    return jnp.zeros((n,), jnp.bool_).at[order].set(keep_sorted)


def reference(x, edge_index, batch, W1l, W1r, b1, g1, be1, p1_wl, p1_wr, p1_b, W2l, W2r, b2, g2, be2, p2_wl, p2_wr, p2_b, Wlin, blin):
    n = x.shape[0]
    h = _sage_conv(x, edge_index, W1l, W1r, b1)
    h = jax.nn.relu(_batch_norm(h, g1, be1))
    s1 = _graph_conv_score(h, edge_index, p1_wl, p1_wr, p1_b)
    counts = jax.ops.segment_sum(jnp.ones_like(batch), batch, num_segments=NUM_GRAPHS)
    starts = jnp.cumsum(counts) - counts
    full_mask = jnp.ones((n,), jnp.bool_)
    mask1 = _masked_topk_mask(s1, jnp.zeros_like(s1), batch, full_mask, starts, 0.5)
    h = jnp.where(mask1[:, None], h * jnp.tanh(s1)[:, None], 0.0)
    src, dst = edge_index[0], edge_index[1]
    em = (mask1[src] & mask1[dst]).astype(jnp.float32)
    deg = jax.ops.segment_sum(em, dst, num_segments=n)
    aggr = jax.ops.segment_sum(h[src] * em[:, None], dst, num_segments=n) / jnp.clip(deg, 1.0)[:, None]
    h = aggr @ W2l + h @ W2r + b2
    h = jax.nn.relu(_masked_batch_norm(h, g2, be2, mask1))
    aggr2 = jax.ops.segment_sum(h[src] * em[:, None], dst, num_segments=n)
    s2 = (aggr2 @ p2_wl + h @ p2_wr + p2_b)[:, 0]
    mask2 = _masked_topk_mask(s2, s1, batch, mask1, starts, 0.5)
    h = jnp.where(mask2[:, None], h * jnp.tanh(s2)[:, None], 0.0)
    cnt = jax.ops.segment_sum(mask2.astype(jnp.float32), batch, num_segments=NUM_GRAPHS)
    pooled = jax.ops.segment_sum(h, batch, num_segments=NUM_GRAPHS) / jnp.clip(cnt, 1.0)[:, None]
    out = jax.nn.relu(pooled) @ Wlin + blin
    return jax.nn.softmax(out, axis=1)

if __name__ == "__main__":
    import jax
    _d = setup_inputs()
    print(jax.jit(kernel)(*tuple(_d.values())))

</pallas_src>

<mosaic_0001>
module attributes {stable_mosaic.version = 14 : i64} {
  func.func @_k_amm(%arg0: i32, %arg1: i32, %arg2: memref<256x2048xf32, #tpu.memory_space<vmem>>, %arg3: memref<2048x256xf32, #tpu.memory_space<vmem>>, %arg4: memref<256x256xf32, #tpu.memory_space<vmem>>) attributes {dimension_semantics = [#tpu.dimension_semantics<arbitrary>, #tpu.dimension_semantics<arbitrary>], iteration_bounds = array<i64: 40, 5>, scalar_prefetch = 0 : i64, scratch_operands = 0 : i64, tpu.core_type = #tpu.core_type<tc>, window_params = [{transform_indices = @transform_0, window_bounds = array<i64: 256, 2048>}, {transform_indices = @transform_1, window_bounds = array<i64: 2048, 256>}, {transform_indices = @transform_2, window_bounds = array<i64: 256, 256>}]} {
    %get3A = arith.constant 0 : index
    %get3A_0 = arith.constant 0 : index
    %get3A_1 = vector.load %arg2[%get3A, %get3A_0] : memref<256x2048xf32, #tpu.memory_space<vmem>>, vector<256x2048xf32>
    %get3A_2 = arith.constant 0 : index
    %get3A_3 = arith.constant 0 : index
    %get3A_4 = vector.load %arg3[%get3A_2, %get3A_3] : memref<2048x256xf32, #tpu.memory_space<vmem>>, vector<2048x256xf32>
    %dot_general3A = arith.constant dense<0.000000e+00> : vector<256x256xf32>
    %dot_general3A_5 = tpu.matmul %get3A_1, %get3A_4, %dot_general3A {dimension_numbers = #tpu.dot_dimension_numbers<[1], [0], [0], [1], [0, 0, 1, 1], [], []>, transpose_lhs_hint = false} : vector<256x2048xf32>, vector<2048x256xf32>, vector<256x256xf32> -> vector<256x256xf32>
    %eq3A = arith.constant 0 : i32
    %eq3A_6 = arith.cmpi eq, %arg1, %eq3A : i32
    %convert_element_type3A = arith.extui %eq3A_6 : i1 to i32
    %cond3A = arith.constant 0 : i32
    %cond3A_7 = arith.cmpi ne, %convert_element_type3A, %cond3A : i32
    scf.if %cond3A_7 {
      %swap3A = arith.constant 0 : index
      %swap3A_12 = arith.constant 0 : index
      %swap3A_13 = vector.load %arg4[%swap3A, %swap3A_12] : memref<256x256xf32, #tpu.memory_space<vmem>>, vector<256x256xf32>
      tpu.vector_store %arg4[%swap3A, %swap3A_12], %dot_general3A_5 {strides = array<i32>} : memref<256x256xf32, #tpu.memory_space<vmem>>, vector<256x256xf32>,
    } else {
    }
    %gt3A = arith.constant 0 : i32
    %gt3A_8 = arith.cmpi sgt, %arg1, %gt3A : i32
    %convert_element_type3A_9 = arith.extui %gt3A_8 : i1 to i32
    %cond3A_10 = arith.constant 0 : i32
    %cond3A_11 = arith.cmpi ne, %convert_element_type3A_9, %cond3A_10 : i32
    scf.if %cond3A_11 {
      %get3A_12 = arith.constant 0 : index
      %get3A_13 = arith.constant 0 : index
      %get3A_14 = vector.load %arg4[%get3A_12, %get3A_13] : memref<256x256xf32, #tpu.memory_space<vmem>>, vector<256x256xf32>
      %add3A = arith.addf %get3A_14, %dot_general3A_5 : vector<256x256xf32>
      %swap3A = arith.constant 0 : index
      %swap3A_15 = arith.constant 0 : index
      %swap3A_16 = vector.load %arg4[%swap3A, %swap3A_15] : memref<256x256xf32, #tpu.memory_space<vmem>>, vector<256x256xf32>
      tpu.vector_store %arg4[%swap3A, %swap3A_15], %add3A {strides = array<i32>} : memref<256x256xf32, #tpu.memory_space<vmem>>, vector<256x256xf32>,
    } else {
    }
    return
  }
  func.func @transform_0(%arg0: i32, %arg1: i32) -> (i32, i32) {
    %c0_i32 = arith.constant 0 : i32
    return %arg0, %arg1 : i32, i32
  }
  func.func @transform_1(%arg0: i32, %arg1: i32) -> (i32, i32) {
    %c0_i32 = arith.constant 0 : i32
    %c0_i32_0 = arith.constant 0 : i32
    return %arg1, %c0_i32 : i32, i32
  }
  func.func @transform_2(%arg0: i32, %arg1: i32) -> (i32, i32) {
    %c0_i32 = arith.constant 0 : i32
    %c0_i32_0 = arith.constant 0 : i32
    return %arg0, %c0_i32 : i32, i32
  }
}

module attributes {stable_mosaic.version = 14 : i64} {
  func.func @_k_lin1(%arg0: i32, %arg1: memref<256x256xf32, #tpu.memory_space<vmem>>, %arg2: memref<256x128xf32, #tpu.memory_space<vmem>>, %arg3: memref<128x256xf32, #tpu.memory_space<vmem>>, %arg4: memref<128x256xf32, #tpu.memory_space<vmem>>, %arg5: memref<1x256xf32, #tpu.memory_space<vmem>>, %arg6: memref<256x256xf32, #tpu.memory_space<vmem>>, %arg7: memref<1x256xf32, #tpu.memory_space<vmem>>, %arg8: memref<1x256xf32, #tpu.memory_space<vmem>>) attributes {dimension_semantics = [#tpu.dimension_semantics<arbitrary>], iteration_bounds = array<i64: 40>, scalar_prefetch = 0 : i64, scratch_operands = 0 : i64, tpu.core_type = #tpu.core_type<tc>, window_params = [{transform_indices = @transform_0, window_bounds = array<i64: 256, 256>}, {transform_indices = @transform_1, window_bounds = array<i64: 256, 128>}, {pipeline_mode = #tpu.pipeline_mode<synchronous>, transform_indices = @transform_2, window_bounds = array<i64: 128, 256>}, {pipeline_mode = #tpu.pipeline_mode<synchronous>, transform_indices = @transform_3, window_bounds = array<i64: 128, 256>}, {pipeline_mode = #tpu.pipeline_mode<synchronous>, transform_indices = @transform_4, window_bounds = array<i64: 1, 256>}, {transform_indices = @transform_5, window_bounds = array<i64: 256, 256>}, {pipeline_mode = #tpu.pipeline_mode<synchronous>, transform_indices = @transform_6, window_bounds = array<i64: 1, 256>}, {pipeline_mode = #tpu.pipeline_mode<synchronous>, transform_indices = @transform_7, window_bounds = array<i64: 1, 256>}]} {
    %get3A = arith.constant 0 : index
    %get3A_0 = arith.constant 0 : index
    %get3A_1 = vector.load %arg1[%get3A, %get3A_0] : memref<256x256xf32, #tpu.memory_space<vmem>>, vector<256x256xf32>
    %slice3A = vector.extract_strided_slice %get3A_1 {offsets = [0, 0], sizes = [256, 128], strides = [1, 1]} : vector<256x256xf32> to vector<256x128xf32>
    %slice3A_2 = vector.extract_strided_slice %get3A_1 {offsets = [0, 128], sizes = [256, 1], strides = [1, 1]} : vector<256x256xf32> to vector<256x1xf32>
    %max3A = arith.constant 1.000000e+00 : f32
    %max3A_3 = vector.broadcast %max3A : f32 to vector<256x1xf32>
    %max3A_4 = arith.maximumf %slice3A_2, %max3A_3 : vector<256x1xf32>
    %div3A = vector.broadcast %max3A_4 : vector<256x1xf32> to vector<256x128xf32>
    %div3A_5 = arith.divf %slice3A, %div3A : vector<256x128xf32>
    %get3A_6 = arith.constant 0 : index
    %get3A_7 = arith.constant 0 : index
    %get3A_8 = vector.load %arg3[%get3A_6, %get3A_7] : memref<128x256xf32, #tpu.memory_space<vmem>>, vector<128x256xf32>
    %dot_general3A = arith.constant dense<0.000000e+00> : vector<256x256xf32>
    %dot_general3A_9 = tpu.matmul %div3A_5, %get3A_8, %dot_general3A {dimension_numbers = #tpu.dot_dimension_numbers<[1], [0], [0], [1], [0, 0, 1, 1], [], []>, transpose_lhs_hint = false} : vector<256x128xf32>, vector<128x256xf32>, vector<256x256xf32> -> vector<256x256xf32>
    %get3A_10 = arith.constant 0 : index
    %get3A_11 = arith.constant 0 : index
    %get3A_12 = vector.load %arg2[%get3A_10, %get3A_11] : memref<256x128xf32, #tpu.memory_space<vmem>>, vector<256x128xf32>
    %get3A_13 = arith.constant 0 : index
    %get3A_14 = arith.constant 0 : index
    %get3A_15 = vector.load %arg4[%get3A_13, %get3A_14] : memref<128x256xf32, #tpu.memory_space<vmem>>, vector<128x256xf32>
    %dot_general3A_16 = arith.constant dense<0.000000e+00> : vector<256x256xf32>
    %dot_general3A_17 = tpu.matmul %get3A_12, %get3A_15, %dot_general3A_16 {dimension_numbers = #tpu.dot_dimension_numbers<[1], [0], [0], [1], [0, 0, 1, 1], [], []>, transpose_lhs_hint = false} : vector<256x128xf32>, vector<128x256xf32>, vector<256x256xf32> -> vector<256x256xf32>
    %add3A = arith.addf %dot_general3A_9, %dot_general3A_17 : vector<256x256xf32>
    %get3A_18 = arith.constant 0 : index
    %get3A_19 = arith.constant 0 : index
    %get3A_20 = vector.load %arg5[%get3A_18, %get3A_19] : memref<1x256xf32, #tpu.memory_space<vmem>>, vector<1x256xf32>
    %add3A_21 = vector.broadcast %get3A_20 : vector<1x256xf32> to vector<256x256xf32>
    %add3A_22 = arith.addf %add3A, %add3A_21 : vector<256x256xf32>
    %mul3A = arith.constant 256 : i32
    %mul3A_23 = arith.muli %arg0, %mul3A : i32
    %iota3A = tpu.iota {dimensions = array<i32: 0>} : vector<256x1xi32>
    %add3A_24 = vector.broadcast %mul3A_23 : i32 to vector<256x1xi32>
    %add3A_25 = arith.addi %add3A_24, %iota3A : vector<256x1xi32>
    %lt3A = arith.constant 10000 : i32
    %lt3A_26 = vector.broadcast %lt3A : i32 to vector<256x1xi32>
    %lt3A_27 = arith.cmpi slt, %add3A_25, %lt3A_26 : vector<256x1xi32>
    %jit3A = arith.constant 0.000000e+00 : f32
    %broadcast_in_dim3A = vector.shape_cast %lt3A_27 : vector<256x1xi1> to vector<256x1xi1>
    %broadcast_in_dim3A_28 = vector.broadcast %broadcast_in_dim3A : vector<256x1xi1> to vector<256x256xi1>
    %broadcast_in_dim3A_29 = vector.broadcast %jit3A : f32 to vector<256x256xf32>
    %select_n3A = arith.select %broadcast_in_dim3A_28, %add3A_22, %broadcast_in_dim3A_29 : vector<256x256xi1>, vector<256x256xf32>
    %swap3A = arith.constant 0 : index
    %swap3A_30 = arith.constant 0 : index
    %swap3A_31 = vector.load %arg6[%swap3A, %swap3A_30] : memref<256x256xf32, #tpu.memory_space<vmem>>, vector<256x256xf32>
    tpu.vector_store %arg6[%swap3A, %swap3A_30], %select_n3A {strides = array<i32>} : memref<256x256xf32, #tpu.memory_space<vmem>>, vector<256x256xf32>,
    %eq3A = arith.constant 0 : i32
    %eq3A_32 = arith.cmpi eq, %arg0, %eq3A : i32
    %convert_element_type3A = arith.extui %eq3A_32 : i1 to i32
    %cond3A = arith.constant 0 : i32
    %cond3A_33 = arith.cmpi ne, %convert_element_type3A, %cond3A : i32
    scf.if %cond3A_33 {
      %broadcast_in_dim3A_54 = arith.constant 0.000000e+00 : f32
      %broadcast_in_dim3A_55 = vector.broadcast %broadcast_in_dim3A_54 : f32 to vector<1x256xf32>
      %swap3A_56 = arith.constant 0 : index
      %swap3A_57 = arith.constant 0 : index
      %swap3A_58 = vector.load %arg7[%swap3A_56, %swap3A_57] : memref<1x256xf32, #tpu.memory_space<vmem>>, vector<1x256xf32>
      tpu.vector_store %arg7[%swap3A_56, %swap3A_57], %broadcast_in_dim3A_55 {strides = array<i32>} : memref<1x256xf32, #tpu.memory_space<vmem>>, vector<1x256xf32>,
      %broadcast_in_dim3A_59 = arith.constant 0.000000e+00 : f32
      %broadcast_in_dim3A_60 = vector.broadcast %broadcast_in_dim3A_59 : f32 to vector<1x256xf32>
      %swap3A_61 = arith.constant 0 : index
      %swap3A_62 = arith.constant 0 : index
      %swap3A_63 = vector.load %arg8[%swap3A_61, %swap3A_62] : memref<1x256xf32, #tpu.memory_space<vmem>>, vector<1x256xf32>
      tpu.vector_store %arg8[%swap3A_61, %swap3A_62], %broadcast_in_dim3A_60 {strides = array<i32>} : memref<1x256xf32, #tpu.memory_space<vmem>>, vector<1x256xf32>,
    } else {
    }
    %get3A_34 = arith.constant 0 : index
    %get3A_35 = arith.constant 0 : index
    %get3A_36 = vector.load %arg7[%get3A_34, %get3A_35] : memref<1x256xf32, #tpu.memory_space<vmem>>, vector<1x256xf32>
    %reduce_sum3A = arith.constant dense<0.000000e+00> : vector<256xf32>
    %reduce_sum3A_37 = vector.multi_reduction <add>, %select_n3A, %reduce_sum3A [0] : vector<256x256xf32> to vector<256xf32>
    %broadcast_in_dim3A_38 = vector.shape_cast %reduce_sum3A_37 : vector<256xf32> to vector<1x256xf32>
    %add3A_39 = arith.addf %get3A_36, %broadcast_in_dim3A_38 : vector<1x256xf32>
    %swap3A_40 = arith.constant 0 : index
    %swap3A_41 = arith.constant 0 : index
    %swap3A_42 = vector.load %arg7[%swap3A_40, %swap3A_41] : memref<1x256xf32, #tpu.memory_space<vmem>>, vector<1x256xf32>
    tpu.vector_store %arg7[%swap3A_40, %swap3A_41], %add3A_39 {strides = array<i32>} : memref<1x256xf32, #tpu.memory_space<vmem>>, vector<1x256xf32>,
    %get3A_43 = arith.constant 0 : index
    %get3A_44 = arith.constant 0 : index
    %get3A_45 = vector.load %arg8[%get3A_43, %get3A_44] : memref<1x256xf32, #tpu.memory_space<vmem>>, vector<1x256xf32>
    %mul3A_46 = arith.mulf %select_n3A, %select_n3A : vector<256x256xf32>
    %reduce_sum3A_47 = arith.constant dense<0.000000e+00> : vector<256xf32>
    %reduce_sum3A_48 = vector.multi_reduction <add>, %mul3A_46, %reduce_sum3A_47 [0] : vector<256x256xf32> to vector<256xf32>
    %broadcast_in_dim3A_49 = vector.shape_cast %reduce_sum3A_48 : vector<256xf32> to vector<1x256xf32>
    %add3A_50 = arith.addf %get3A_45, %broadcast_in_dim3A_49 : vector<1x256xf32>
    %swap3A_51 = arith.constant 0 : index
    %swap3A_52 = arith.constant 0 : index
    %swap3A_53 = vector.load %arg8[%swap3A_51, %swap3A_52] : memref<1x256xf32, #tpu.memory_space<vmem>>, vector<1x256xf32>
    tpu.vector_store %arg8[%swap3A_51, %swap3A_52], %add3A_50 {strides = array<i32>} : memref<1x256xf32, #tpu.memory_space<vmem>>, vector<1x256xf32>,
    return
  }
  func.func @transform_0(%arg0: i32) -> (i32, i32) {
    %c0_i32 = arith.constant 0 : i32
    %c0_i32_0 = arith.constant 0 : i32
    return %arg0, %c0_i32 : i32, i32
  }
  func.func @transform_1(%arg0: i32) -> (i32, i32) {
    %c0_i32 = arith.constant 0 : i32
    %c0_i32_0 = arith.constant 0 : i32
    return %arg0, %c0_i32 : i32, i32
  }
  func.func @transform_2(%arg0: i32) -> (i32, i32) {
    %c0_i32 = arith.constant 0 : i32
    %c0_i32_0 = arith.constant 0 : i32
    %c0_i32_1 = arith.constant 0 : i32
    return %c0_i32, %c0_i32_0 : i32, i32
  }
  func.func @transform_3(%arg0: i32) -> (i32, i32) {
    %c0_i32 = arith.constant 0 : i32
    %c0_i32_0 = arith.constant 0 : i32
    %c0_i32_1 = arith.constant 0 : i32
    return %c0_i32, %c0_i32_0 : i32, i32
  }
  func.func @transform_4(%arg0: i32) -> (i32, i32) {
    %c0_i32 = arith.constant 0 : i32
    %c0_i32_0 = arith.constant 0 : i32
    %c0_i32_1 = arith.constant 0 : i32
    return %c0_i32, %c0_i32_0 : i32, i32
  }
  func.func @transform_5(%arg0: i32) -> (i32, i32) {
    %c0_i32 = arith.constant 0 : i32
    %c0_i32_0 = arith.constant 0 : i32
    return %arg0, %c0_i32 : i32, i32
  }
  func.func @transform_6(%arg0: i32) -> (i32, i32) {
    %c0_i32 = arith.constant 0 : i32
    %c0_i32_0 = arith.constant 0 : i32
    %c0_i32_1 = arith.constant 0 : i32
    return %c0_i32, %c0_i32_0 : i32, i32
  }
  func.func @transform_7(%arg0: i32) -> (i32, i32) {
    %c0_i32 = arith.constant 0 : i32
    %c0_i32_0 = arith.constant 0 : i32
    %c0_i32_1 = arith.constant 0 : i32
    return %c0_i32, %c0_i32_0 : i32, i32
  }
}

module attributes {stable_mosaic.version = 14 : i64} {
  func.func @_k_bn1(%arg0: i32, %arg1: memref<256x256xf32, #tpu.memory_space<vmem>>, %arg2: memref<1x256xf32, #tpu.memory_space<vmem>>, %arg3: memref<1x256xf32, #tpu.memory_space<vmem>>, %arg4: memref<1x256xf32, #tpu.memory_space<vmem>>, %arg5: memref<1x256xf32, #tpu.memory_space<vmem>>, %arg6: memref<256x1xf32, #tpu.memory_space<vmem>>, %arg7: memref<256x1xf32, #tpu.memory_space<vmem>>, %arg8: memref<256x256xf32, #tpu.memory_space<vmem>>, %arg9: memref<256x1xf32, #tpu.memory_space<vmem>>, %arg10: memref<256x1xf32, #tpu.memory_space<vmem>>) attributes {dimension_semantics = [#tpu.dimension_semantics<arbitrary>], iteration_bounds = array<i64: 40>, scalar_prefetch = 0 : i64, scratch_operands = 0 : i64, tpu.core_type = #tpu.core_type<tc>, window_params = [{transform_indices = @transform_0, window_bounds = array<i64: 256, 256>}, {pipeline_mode = #tpu.pipeline_mode<synchronous>, transform_indices = @transform_1, window_bounds = array<i64: 1, 256>}, {pipeline_mode = #tpu.pipeline_mode<synchronous>, transform_indices = @transform_2, window_bounds = array<i64: 1, 256>}, {pipeline_mode = #tpu.pipeline_mode<synchronous>, transform_indices = @transform_3, window_bounds = array<i64: 1, 256>}, {pipeline_mode = #tpu.pipeline_mode<synchronous>, transform_indices = @transform_4, window_bounds = array<i64: 1, 256>}, {pipeline_mode = #tpu.pipeline_mode<synchronous>, transform_indices = @transform_5, window_bounds = array<i64: 256, 1>}, {pipeline_mode = #tpu.pipeline_mode<synchronous>, transform_indices = @transform_6, window_bounds = array<i64: 256, 1>}, {transform_indices = @transform_7, window_bounds = array<i64: 256, 256>}, {transform_indices = @transform_8, window_bounds = array<i64: 256, 1>}, {transform_indices = @transform_9, window_bounds = array<i64: 256, 1>}]} {
    %get3A = arith.constant 0 : index
    %get3A_0 = arith.constant 0 : index
    %get3A_1 = vector.load %arg2[%get3A, %get3A_0] : memref<1x256xf32, #tpu.memory_space<vmem>>, vector<1x256xf32>
    %div3A = arith.constant 1.000000e+04 : f32
    %div3A_2 = vector.broadcast %div3A : f32 to vector<1x256xf32>
    %div3A_3 = arith.divf %get3A_1, %div3A_2 : vector<1x256xf32>
    %get3A_4 = arith.constant 0 : index
    %get3A_5 = arith.constant 0 : index
    %get3A_6 = vector.load %arg3[%get3A_4, %get3A_5] : memref<1x256xf32, #tpu.memory_space<vmem>>, vector<1x256xf32>
    %div3A_7 = arith.constant 1.000000e+04 : f32
    %div3A_8 = vector.broadcast %div3A_7 : f32 to vector<1x256xf32>
    %div3A_9 = arith.divf %get3A_6, %div3A_8 : vector<1x256xf32>
    %mul3A = arith.mulf %div3A_3, %div3A_3 : vector<1x256xf32>
    %sub3A = arith.subf %div3A_9, %mul3A : vector<1x256xf32>
    %add3A = arith.constant 9.99999974E-6 : f32
    %add3A_10 = vector.broadcast %add3A : f32 to vector<1x256xf32>
    %add3A_11 = arith.addf %sub3A, %add3A_10 : vector<1x256xf32>
    %rsqrt3A = math.rsqrt %add3A_11 : vector<1x256xf32>
    %get3A_12 = arith.constant 0 : index
    %get3A_13 = arith.constant 0 : index
    %get3A_14 = vector.load %arg1[%get3A_12, %get3A_13] : memref<256x256xf32, #tpu.memory_space<vmem>>, vector<256x256xf32>
    %sub3A_15 = vector.broadcast %div3A_3 : vector<1x256xf32> to vector<256x256xf32>
    %sub3A_16 = arith.subf %get3A_14, %sub3A_15 : vector<256x256xf32>
    %mul3A_17 = vector.broadcast %rsqrt3A : vector<1x256xf32> to vector<256x256xf32>
    %mul3A_18 = arith.mulf %sub3A_16, %mul3A_17 : vector<256x256xf32>
    %get3A_19 = arith.constant 0 : index
    %get3A_20 = arith.constant 0 : index
    %get3A_21 = vector.load %arg4[%get3A_19, %get3A_20] : memref<1x256xf32, #tpu.memory_space<vmem>>, vector<1x256xf32>
    %mul3A_22 = vector.broadcast %get3A_21 : vector<1x256xf32> to vector<256x256xf32>
    %mul3A_23 = arith.mulf %mul3A_18, %mul3A_22 : vector<256x256xf32>
    %get3A_24 = arith.constant 0 : index
    %get3A_25 = arith.constant 0 : index
    %get3A_26 = vector.load %arg5[%get3A_24, %get3A_25] : memref<1x256xf32, #tpu.memory_space<vmem>>, vector<1x256xf32>
    %add3A_27 = vector.broadcast %get3A_26 : vector<1x256xf32> to vector<256x256xf32>
    %add3A_28 = arith.addf %mul3A_23, %add3A_27 : vector<256x256xf32>
    %max3A = arith.constant 0.000000e+00 : f32
    %max3A_29 = vector.broadcast %max3A : f32 to vector<256x256xf32>
    %max3A_30 = arith.maximumf %add3A_28, %max3A_29 : vector<256x256xf32>
    %swap3A = arith.constant 0 : index
    %swap3A_31 = arith.constant 0 : index
    %swap3A_32 = vector.load %arg8[%swap3A, %swap3A_31] : memref<256x256xf32, #tpu.memory_space<vmem>>, vector<256x256xf32>
    tpu.vector_store %arg8[%swap3A, %swap3A_31], %max3A_30 {strides = array<i32>} : memref<256x256xf32, #tpu.memory_space<vmem>>, vector<256x256xf32>,
    %get3A_33 = arith.constant 0 : index
    %get3A_34 = arith.constant 0 : index
    %get3A_35 = vector.load %arg6[%get3A_33, %get3A_34] : memref<256x1xf32, #tpu.memory_space<vmem>>, vector<256x1xf32>
    %dot_general3A = arith.constant dense<0.000000e+00> : vector<256x1xf32>
    %dot_general3A_36 = tpu.matmul %max3A_30, %get3A_35, %dot_general3A {dimension_numbers = #tpu.dot_dimension_numbers<[1], [0], [0], [1], [0, 0, 1, 1], [], []>, transpose_lhs_hint = false} : vector<256x256xf32>, vector<256x1xf32>, vector<256x1xf32> -> vector<256x1xf32>
    %swap3A_37 = arith.constant 0 : index
    %swap3A_38 = arith.constant 0 : index
    %swap3A_39 = vector.load %arg9[%swap3A_37, %swap3A_38] : memref<256x1xf32, #tpu.memory_space<vmem>>, vector<256x1xf32>
    tpu.vector_store %arg9[%swap3A_37, %swap3A_38], %dot_general3A_36 {strides = array<i32>} : memref<256x1xf32, #tpu.memory_space<vmem>>, vector<256x1xf32>,
    %get3A_40 = arith.constant 0 : index
    %get3A_41 = arith.constant 0 : index
    %get3A_42 = vector.load %arg7[%get3A_40, %get3A_41] : memref<256x1xf32, #tpu.memory_space<vmem>>, vector<256x1xf32>
    %dot_general3A_43 = arith.constant dense<0.000000e+00> : vector<256x1xf32>
    %dot_general3A_44 = tpu.matmul %max3A_30, %get3A_42, %dot_general3A_43 {dimension_numbers = #tpu.dot_dimension_numbers<[1], [0], [0], [1], [0, 0, 1, 1], [], []>, transpose_lhs_hint = false} : vector<256x256xf32>, vector<256x1xf32>, vector<256x1xf32> -> vector<256x1xf32>
    %swap3A_45 = arith.constant 0 : index
    %swap3A_46 = arith.constant 0 : index
    %swap3A_47 = vector.load %arg10[%swap3A_45, %swap3A_46] : memref<256x1xf32, #tpu.memory_space<vmem>>, vector<256x1xf32>
    tpu.vector_store %arg10[%swap3A_45, %swap3A_46], %dot_general3A_44 {strides = array<i32>} : memref<256x1xf32, #tpu.memory_space<vmem>>, vector<256x1xf32>,
    return
  }
  func.func @transform_0(%arg0: i32) -> (i32, i32) {
    %c0_i32 = arith.constant 0 : i32
    %c0_i32_0 = arith.constant 0 : i32
    return %arg0, %c0_i32 : i32, i32
  }
  func.func @transform_1(%arg0: i32) -> (i32, i32) {
    %c0_i32 = arith.constant 0 : i32
    %c0_i32_0 = arith.constant 0 : i32
    %c0_i32_1 = arith.constant 0 : i32
    return %c0_i32, %c0_i32_0 : i32, i32
  }
  func.func @transform_2(%arg0: i32) -> (i32, i32) {
    %c0_i32 = arith.constant 0 : i32
    %c0_i32_0 = arith.constant 0 : i32
    %c0_i32_1 = arith.constant 0 : i32
    return %c0_i32, %c0_i32_0 : i32, i32
  }
  func.func @transform_3(%arg0: i32) -> (i32, i32) {
    %c0_i32 = arith.constant 0 : i32
    %c0_i32_0 = arith.constant 0 : i32
    %c0_i32_1 = arith.constant 0 : i32
    return %c0_i32, %c0_i32_0 : i32, i32
  }
  func.func @transform_4(%arg0: i32) -> (i32, i32) {
    %c0_i32 = arith.constant 0 : i32
    %c0_i32_0 = arith.constant 0 : i32
    %c0_i32_1 = arith.constant 0 : i32
    return %c0_i32, %c0_i32_0 : i32, i32
  }
  func.func @transform_5(%arg0: i32) -> (i32, i32) {
    %c0_i32 = arith.constant 0 : i32
    %c0_i32_0 = arith.constant 0 : i32
    %c0_i32_1 = arith.constant 0 : i32
    return %c0_i32, %c0_i32_0 : i32, i32
  }
  func.func @transform_6(%arg0: i32) -> (i32, i32) {
    %c0_i32 = arith.constant 0 : i32
    %c0_i32_0 = arith.constant 0 : i32
    %c0_i32_1 = arith.constant 0 : i32
    return %c0_i32, %c0_i32_0 : i32, i32
  }
  func.func @transform_7(%arg0: i32) -> (i32, i32) {
    %c0_i32 = arith.constant 0 : i32
    %c0_i32_0 = arith.constant 0 : i32
    return %arg0, %c0_i32 : i32, i32
  }
  func.func @transform_8(%arg0: i32) -> (i32, i32) {
    %c0_i32 = arith.constant 0 : i32
    %c0_i32_0 = arith.constant 0 : i32
    return %arg0, %c0_i32 : i32, i32
  }
  func.func @transform_9(%arg0: i32) -> (i32, i32) {
    %c0_i32 = arith.constant 0 : i32
    %c0_i32_0 = arith.constant 0 : i32
    return %arg0, %c0_i32 : i32, i32
  }
}

module attributes {stable_mosaic.version = 14 : i64} {
  func.func @_k_matvec(%arg0: i32, %arg1: i32, %arg2: memref<256x2048xf32, #tpu.memory_space<vmem>>, %arg3: memref<2048x1xf32, #tpu.memory_space<vmem>>, %arg4: memref<256x1xf32, #tpu.memory_space<vmem>>, %arg5: memref<256x1xf32, #tpu.memory_space<vmem>>, %arg6: memref<1x1xf32, #tpu.memory_space<vmem>>, %arg7: memref<256x1xf32, #tpu.memory_space<vmem>>) attributes {dimension_semantics = [#tpu.dimension_semantics<arbitrary>, #tpu.dimension_semantics<arbitrary>], iteration_bounds = array<i64: 40, 5>, scalar_prefetch = 0 : i64, scratch_operands = 0 : i64, tpu.core_type = #tpu.core_type<tc>, window_params = [{transform_indices = @transform_0, window_bounds = array<i64: 256, 2048>}, {transform_indices = @transform_1, window_bounds = array<i64: 2048, 1>}, {transform_indices = @transform_2, window_bounds = array<i64: 256, 1>}, {transform_indices = @transform_3, window_bounds = array<i64: 256, 1>}, {pipeline_mode = #tpu.pipeline_mode<synchronous>, transform_indices = @transform_4, window_bounds = array<i64: 1, 1>}, {transform_indices = @transform_5, window_bounds = array<i64: 256, 1>}]} {
    %get3A = arith.constant 0 : index
    %get3A_0 = arith.constant 0 : index
    %get3A_1 = vector.load %arg2[%get3A, %get3A_0] : memref<256x2048xf32, #tpu.memory_space<vmem>>, vector<256x2048xf32>
    %get3A_2 = arith.constant 0 : index
    %get3A_3 = arith.constant 0 : index
    %get3A_4 = vector.load %arg3[%get3A_2, %get3A_3] : memref<2048x1xf32, #tpu.memory_space<vmem>>, vector<2048x1xf32>
    %dot_general3A = arith.constant dense<0.000000e+00> : vector<256x1xf32>
    %dot_general3A_5 = tpu.matmul %get3A_1, %get3A_4, %dot_general3A {dimension_numbers = #tpu.dot_dimension_numbers<[1], [0], [0], [1], [0, 0, 1, 1], [], []>, transpose_lhs_hint = false} : vector<256x2048xf32>, vector<2048x1xf32>, vector<256x1xf32> -> vector<256x1xf32>
    %eq3A = arith.constant 0 : i32
    %eq3A_6 = arith.cmpi eq, %arg1, %eq3A : i32
    %convert_element_type3A = arith.extui %eq3A_6 : i1 to i32
    %cond3A = arith.constant 0 : i32
    %cond3A_7 = arith.cmpi ne, %convert_element_type3A, %cond3A : i32
    scf.if %cond3A_7 {
      %swap3A = arith.constant 0 : index
      %swap3A_17 = arith.constant 0 : index
      %swap3A_18 = vector.load %arg7[%swap3A, %swap3A_17] : memref<256x1xf32, #tpu.memory_space<vmem>>, vector<256x1xf32>
      tpu.vector_store %arg7[%swap3A, %swap3A_17], %dot_general3A_5 {strides = array<i32>} : memref<256x1xf32, #tpu.memory_space<vmem>>, vector<256x1xf32>,
    } else {
    }
    %gt3A = arith.constant 0 : i32
    %gt3A_8 = arith.cmpi sgt, %arg1, %gt3A : i32
    %convert_element_type3A_9 = arith.extui %gt3A_8 : i1 to i32
    %cond3A_10 = arith.constant 0 : i32
    %cond3A_11 = arith.cmpi ne, %convert_element_type3A_9, %cond3A_10 : i32
    scf.if %cond3A_11 {
      %get3A_17 = arith.constant 0 : index
      %get3A_18 = arith.constant 0 : index
      %get3A_19 = vector.load %arg7[%get3A_17, %get3A_18] : memref<256x1xf32, #tpu.memory_space<vmem>>, vector<256x1xf32>
      %add3A = arith.addf %get3A_19, %dot_general3A_5 : vector<256x1xf32>
      %swap3A = arith.constant 0 : index
      %swap3A_20 = arith.constant 0 : index
      %swap3A_21 = vector.load %arg7[%swap3A, %swap3A_20] : memref<256x1xf32, #tpu.memory_space<vmem>>, vector<256x1xf32>
      tpu.vector_store %arg7[%swap3A, %swap3A_20], %add3A {strides = array<i32>} : memref<256x1xf32, #tpu.memory_space<vmem>>, vector<256x1xf32>,
    } else {
    }
    %eq3A_12 = arith.constant 4 : i32
    %eq3A_13 = arith.cmpi eq, %arg1, %eq3A_12 : i32
    %convert_element_type3A_14 = arith.extui %eq3A_13 : i1 to i32
    %cond3A_15 = arith.constant 0 : i32
    %cond3A_16 = arith.cmpi ne, %convert_element_type3A_14, %cond3A_15 : i32
    scf.if %cond3A_16 {
      %get3A_17 = arith.constant 0 : index
      %get3A_18 = arith.constant 0 : index
      %get3A_19 = vector.load %arg5[%get3A_17, %get3A_18] : memref<256x1xf32, #tpu.memory_space<vmem>>, vector<256x1xf32>
      %get3A_20 = arith.constant 0 : index
      %get3A_21 = arith.constant 0 : index
      %get3A_22 = vector.load %arg7[%get3A_20, %get3A_21] : memref<256x1xf32, #tpu.memory_space<vmem>>, vector<256x1xf32>
      %mul3A = arith.mulf %get3A_19, %get3A_22 : vector<256x1xf32>
      %get3A_23 = arith.constant 0 : index
      %get3A_24 = arith.constant 0 : index
      %get3A_25 = vector.load %arg4[%get3A_23, %get3A_24] : memref<256x1xf32, #tpu.memory_space<vmem>>, vector<256x1xf32>
      %add3A = arith.addf %mul3A, %get3A_25 : vector<256x1xf32>
      %get3A_26 = arith.constant 0 : index
      %get3A_27 = arith.constant 0 : index
      %get3A_28 = vector.load %arg6[%get3A_26, %get3A_27] : memref<1x1xf32, #tpu.memory_space<vmem>>, vector<1x1xf32>
      %add3A_29 = vector.broadcast %get3A_28 : vector<1x1xf32> to vector<256x1xf32>
      %add3A_30 = arith.addf %add3A, %add3A_29 : vector<256x1xf32>
      %swap3A = arith.constant 0 : index
      %swap3A_31 = arith.constant 0 : index
      %swap3A_32 = vector.load %arg7[%swap3A, %swap3A_31] : memref<256x1xf32, #tpu.memory_space<vmem>>, vector<256x1xf32>
      tpu.vector_store %arg7[%swap3A, %swap3A_31], %add3A_30 {strides = array<i32>} : memref<256x1xf32, #tpu.memory_space<vmem>>, vector<256x1xf32>,
    } else {
    }
    return
  }
  func.func @transform_0(%arg0: i32, %arg1: i32) -> (i32, i32) {
    %c0_i32 = arith.constant 0 : i32
    return %arg0, %arg1 : i32, i32
  }
  func.func @transform_1(%arg0: i32, %arg1: i32) -> (i32, i32) {
    %c0_i32 = arith.constant 0 : i32
    %c0_i32_0 = arith.constant 0 : i32
    return %arg1, %c0_i32 : i32, i32
  }
  func.func @transform_2(%arg0: i32, %arg1: i32) -> (i32, i32) {
    %c0_i32 = arith.constant 0 : i32
    %c0_i32_0 = arith.constant 0 : i32
    return %arg0, %c0_i32 : i32, i32
  }
  func.func @transform_3(%arg0: i32, %arg1: i32) -> (i32, i32) {
    %c0_i32 = arith.constant 0 : i32
    %c0_i32_0 = arith.constant 0 : i32
    return %arg0, %c0_i32 : i32, i32
  }
  func.func @transform_4(%arg0: i32, %arg1: i32) -> (i32, i32) {
    %c0_i32 = arith.constant 0 : i32
    %c0_i32_0 = arith.constant 0 : i32
    %c0_i32_1 = arith.constant 0 : i32
    return %c0_i32, %c0_i32_0 : i32, i32
  }
  func.func @transform_5(%arg0: i32, %arg1: i32) -> (i32, i32) {
    %c0_i32 = arith.constant 0 : i32
    %c0_i32_0 = arith.constant 0 : i32
    return %arg0, %c0_i32 : i32, i32
  }
}

module attributes {stable_mosaic.version = 14 : i64} {
  func.func @_k_topk(%arg0: i32, %arg1: i32, %arg2: memref<256x1xf32, #tpu.memory_space<vmem>>, %arg3: memref<256x1xf32, #tpu.memory_space<vmem>>, %arg4: memref<256x1xi32, #tpu.memory_space<vmem>>, %arg5: memref<256x1xf32, #tpu.memory_space<vmem>>, %arg6: memref<1x1x2048xf32, #tpu.memory_space<vmem>>, %arg7: memref<1x1x2048xf32, #tpu.memory_space<vmem>>, %arg8: memref<1x1x2048xi32, #tpu.memory_space<vmem>>, %arg9: memref<1x1x2048xf32, #tpu.memory_space<vmem>>, %arg10: memref<256x1xf32, #tpu.memory_space<vmem>>, %arg11: memref<256x1xf32, #tpu.memory_space<vmem>>, %arg12: memref<256x1xf32, #tpu.memory_space<vmem>>) attributes {dimension_semantics = [#tpu.dimension_semantics<arbitrary>, #tpu.dimension_semantics<arbitrary>], iteration_bounds = array<i64: 40, 5>, scalar_prefetch = 0 : i64, scratch_operands = 0 : i64, tpu.core_type = #tpu.core_type<tc>, window_params = [{transform_indices = @transform_0, window_bounds = array<i64: 256, 1>}, {transform_indices = @transform_1, window_bounds = array<i64: 256, 1>}, {transform_indices = @transform_2, window_bounds = array<i64: 256, 1>}, {transform_indices = @transform_3, window_bounds = array<i64: 256, 1>}, {transform_indices = @transform_4, window_bounds = array<i64: 1, 1, 2048>}, {transform_indices = @transform_5, window_bounds = array<i64: 1, 1, 2048>}, {transform_indices = @transform_6, window_bounds = array<i64: 1, 1, 2048>}, {transform_indices = @transform_7, window_bounds = array<i64: 1, 1, 2048>}, {transform_indices = @transform_8, window_bounds = array<i64: 256, 1>}, {transform_indices = @transform_9, window_bounds = array<i64: 256, 1>}, {transform_indices = @transform_10, window_bounds = array<i64: 256, 1>}]} {
    %eq3A = arith.constant 0 : i32
    %eq3A_0 = arith.cmpi eq, %arg1, %eq3A : i32
    %convert_element_type3A = arith.extui %eq3A_0 : i1 to i32
    %cond3A = arith.constant 0 : i32
    %cond3A_1 = arith.cmpi ne, %convert_element_type3A, %cond3A : i32
    scf.if %cond3A_1 {
      %broadcast_in_dim3A = arith.constant 0.000000e+00 : f32
      %broadcast_in_dim3A_35 = vector.broadcast %broadcast_in_dim3A : f32 to vector<256x1xf32>
      %swap3A = arith.constant 0 : index
      %swap3A_36 = arith.constant 0 : index
      %swap3A_37 = vector.load %arg10[%swap3A, %swap3A_36] : memref<256x1xf32, #tpu.memory_space<vmem>>, vector<256x1xf32>
      tpu.vector_store %arg10[%swap3A, %swap3A_36], %broadcast_in_dim3A_35 {strides = array<i32>} : memref<256x1xf32, #tpu.memory_space<vmem>>, vector<256x1xf32>,
      %broadcast_in_dim3A_38 = arith.constant 0.000000e+00 : f32
      %broadcast_in_dim3A_39 = vector.broadcast %broadcast_in_dim3A_38 : f32 to vector<256x1xf32>
      %swap3A_40 = arith.constant 0 : index
      %swap3A_41 = arith.constant 0 : index
      %swap3A_42 = vector.load %arg11[%swap3A_40, %swap3A_41] : memref<256x1xf32, #tpu.memory_space<vmem>>, vector<256x1xf32>
      tpu.vector_store %arg11[%swap3A_40, %swap3A_41], %broadcast_in_dim3A_39 {strides = array<i32>} : memref<256x1xf32, #tpu.memory_space<vmem>>, vector<256x1xf32>,
    } else {
    }
    %get3A = arith.constant 0 : index
    %get3A_2 = arith.constant 0 : index
    %get3A_3 = vector.load %arg4[%get3A, %get3A_2] : memref<256x1xi32, #tpu.memory_space<vmem>>, vector<256x1xi32>
    %get3A_4 = arith.constant 0 : index
    %get3A_5 = arith.constant 0 : index
    %get3A_6 = arith.constant 0 : index
    %get3A_7 = vector.load %arg8[%get3A_4, %get3A_5, %get3A_6] : memref<1x1x2048xi32, #tpu.memory_space<vmem>>, vector<1x1x2048xi32>
    %get3A_8 = vector.shape_cast %get3A_7 : vector<1x1x2048xi32> to vector<1x2048xi32>
    %reduce_min3A = vector.shape_cast %get3A_8 : vector<1x2048xi32> to vector<1x1x2048xi32>
    %reduce_min3A_9 = arith.constant dense<2147483647> : vector<1xi32>
    %reduce_min3A_10 = vector.multi_reduction <minsi>, %reduce_min3A, %reduce_min3A_9 [1, 2] : vector<1x1x2048xi32> to vector<1xi32>
    %reduce_min3A_11 = vector.shape_cast %reduce_min3A_10 : vector<1xi32> to vector<1x1x1xi32>
    %reduce_min3A_12 = vector.extract %reduce_min3A_11[0, 0, 0] : i32 from vector<1x1x1xi32>
    %reduce_max3A = vector.shape_cast %get3A_3 : vector<256x1xi32> to vector<1x256x1xi32>
    %reduce_max3A_13 = arith.constant dense<-2147483648> : vector<1xi32>
    %reduce_max3A_14 = vector.multi_reduction <maxsi>, %reduce_max3A, %reduce_max3A_13 [1, 2] : vector<1x256x1xi32> to vector<1xi32>
    %reduce_max3A_15 = vector.shape_cast %reduce_max3A_14 : vector<1xi32> to vector<1x1x1xi32>
    %reduce_max3A_16 = vector.extract %reduce_max3A_15[0, 0, 0] : i32 from vector<1x1x1xi32>
    %le3A = arith.cmpi sle, %reduce_min3A_12, %reduce_max3A_16 : i32
    %reduce_max3A_17 = vector.shape_cast %get3A_8 : vector<1x2048xi32> to vector<1x1x2048xi32>
    %reduce_max3A_18 = arith.constant dense<-2147483648> : vector<1xi32>
    %reduce_max3A_19 = vector.multi_reduction <maxsi>, %reduce_max3A_17, %reduce_max3A_18 [1, 2] : vector<1x1x2048xi32> to vector<1xi32>
    %reduce_max3A_20 = vector.shape_cast %reduce_max3A_19 : vector<1xi32> to vector<1x1x1xi32>
    %reduce_max3A_21 = vector.extract %reduce_max3A_20[0, 0, 0] : i32 from vector<1x1x1xi32>
    %reduce_min3A_22 = vector.shape_cast %get3A_3 : vector<256x1xi32> to vector<1x256x1xi32>
    %reduce_min3A_23 = arith.constant dense<2147483647> : vector<1xi32>
    %reduce_min3A_24 = vector.multi_reduction <minsi>, %reduce_min3A_22, %reduce_min3A_23 [1, 2] : vector<1x256x1xi32> to vector<1xi32>
    %reduce_min3A_25 = vector.shape_cast %reduce_min3A_24 : vector<1xi32> to vector<1x1x1xi32>
    %reduce_min3A_26 = vector.extract %reduce_min3A_25[0, 0, 0] : i32 from vector<1x1x1xi32>
    %ge3A = arith.cmpi sge, %reduce_max3A_21, %reduce_min3A_26 : i32
    %and3A = arith.andi %le3A, %ge3A : i1
    %convert_element_type3A_27 = arith.extui %and3A : i1 to i32
    %cond3A_28 = arith.constant 0 : i32
    %cond3A_29 = arith.cmpi ne, %convert_element_type3A_27, %cond3A_28 : i32
    scf.if %cond3A_29 {
      %get3A_35 = arith.constant 0 : index
      %get3A_36 = arith.constant 0 : index
      %get3A_37 = vector.load %arg2[%get3A_35, %get3A_36] : memref<256x1xf32, #tpu.memory_space<vmem>>, vector<256x1xf32>
      %get3A_38 = arith.constant 0 : index
      %get3A_39 = arith.constant 0 : index
      %get3A_40 = arith.constant 0 : index
      %get3A_41 = vector.load %arg6[%get3A_38, %get3A_39, %get3A_40] : memref<1x1x2048xf32, #tpu.memory_space<vmem>>, vector<1x1x2048xf32>
      %get3A_42 = vector.shape_cast %get3A_41 : vector<1x1x2048xf32> to vector<1x2048xf32>
      %get3A_43 = arith.constant 0 : index
      %get3A_44 = arith.constant 0 : index
      %get3A_45 = vector.load %arg3[%get3A_43, %get3A_44] : memref<256x1xf32, #tpu.memory_space<vmem>>, vector<256x1xf32>
      %get3A_46 = arith.constant 0 : index
      %get3A_47 = arith.constant 0 : index
      %get3A_48 = arith.constant 0 : index
      %get3A_49 = vector.load %arg7[%get3A_46, %get3A_47, %get3A_48] : memref<1x1x2048xf32, #tpu.memory_space<vmem>>, vector<1x1x2048xf32>
      %get3A_50 = vector.shape_cast %get3A_49 : vector<1x1x2048xf32> to vector<1x2048xf32>
      %get3A_51 = arith.constant 0 : index
      %get3A_52 = arith.constant 0 : index
      %get3A_53 = arith.constant 0 : index
      %get3A_54 = vector.load %arg9[%get3A_51, %get3A_52, %get3A_53] : memref<1x1x2048xf32, #tpu.memory_space<vmem>>, vector<1x1x2048xf32>
      %get3A_55 = vector.shape_cast %get3A_54 : vector<1x1x2048xf32> to vector<1x2048xf32>
      %gt3A = arith.constant 0.000000e+00 : f32
      %gt3A_56 = vector.broadcast %gt3A : f32 to vector<1x2048xf32>
      %gt3A_57 = arith.cmpf ogt, %get3A_55, %gt3A_56 : vector<1x2048xf32>
      %mul3A = arith.constant 256 : i32
      %mul3A_58 = arith.muli %arg0, %mul3A : i32
      %iota3A = tpu.iota {dimensions = array<i32: 0>} : vector<256x1xi32>
      %add3A = vector.broadcast %mul3A_58 : i32 to vector<256x1xi32>
      %add3A_59 = arith.addi %add3A, %iota3A : vector<256x1xi32>
      %mul3A_60 = arith.constant 2048 : i32
      %mul3A_61 = arith.muli %arg1, %mul3A_60 : i32
      %iota3A_62 = tpu.iota {dimensions = array<i32: 1>} : vector<1x2048xi32>
      %add3A_63 = vector.broadcast %mul3A_61 : i32 to vector<1x2048xi32>
      %add3A_64 = arith.addi %add3A_63, %iota3A_62 : vector<1x2048xi32>
      %eq3A_65 = vector.broadcast %get3A_3 : vector<256x1xi32> to vector<256x2048xi32>
      %eq3A_66 = vector.broadcast %get3A_8 : vector<1x2048xi32> to vector<256x2048xi32>
      %eq3A_67 = arith.cmpi eq, %eq3A_65, %eq3A_66 : vector<256x2048xi32>
      %and3A_68 = vector.broadcast %gt3A_57 : vector<1x2048xi1> to vector<256x2048xi1>
      %and3A_69 = arith.andi %eq3A_67, %and3A_68 : vector<256x2048xi1>
      %gt3A_70 = vector.broadcast %get3A_42 : vector<1x2048xf32> to vector<256x2048xf32>
      %gt3A_71 = vector.broadcast %get3A_37 : vector<256x1xf32> to vector<256x2048xf32>
      %gt3A_72 = arith.cmpf ogt, %gt3A_70, %gt3A_71 : vector<256x2048xf32>
      %eq3A_73 = vector.broadcast %get3A_42 : vector<1x2048xf32> to vector<256x2048xf32>
      %eq3A_74 = vector.broadcast %get3A_37 : vector<256x1xf32> to vector<256x2048xf32>
      %eq3A_75 = arith.cmpf oeq, %eq3A_73, %eq3A_74 : vector<256x2048xf32>
      %gt3A_76 = vector.broadcast %get3A_50 : vector<1x2048xf32> to vector<256x2048xf32>
      %gt3A_77 = vector.broadcast %get3A_45 : vector<256x1xf32> to vector<256x2048xf32>
      %gt3A_78 = arith.cmpf ogt, %gt3A_76, %gt3A_77 : vector<256x2048xf32>
      %eq3A_79 = vector.broadcast %get3A_50 : vector<1x2048xf32> to vector<256x2048xf32>
      %eq3A_80 = vector.broadcast %get3A_45 : vector<256x1xf32> to vector<256x2048xf32>
      %eq3A_81 = arith.cmpf oeq, %eq3A_79, %eq3A_80 : vector<256x2048xf32>
      %lt3A = vector.broadcast %add3A_64 : vector<1x2048xi32> to vector<256x2048xi32>
      %lt3A_82 = vector.broadcast %add3A_59 : vector<256x1xi32> to vector<256x2048xi32>
      %lt3A_83 = arith.cmpi slt, %lt3A, %lt3A_82 : vector<256x2048xi32>
      %and3A_84 = arith.andi %eq3A_81, %lt3A_83 : vector<256x2048xi1>
      %or3A = arith.ori %gt3A_78, %and3A_84 : vector<256x2048xi1>
      %and3A_85 = arith.andi %eq3A_75, %or3A : vector<256x2048xi1>
      %or3A_86 = arith.ori %gt3A_72, %and3A_85 : vector<256x2048xi1>
      %get3A_87 = arith.constant 0 : index
      %get3A_88 = arith.constant 0 : index
      %get3A_89 = vector.load %arg10[%get3A_87, %get3A_88] : memref<256x1xf32, #tpu.memory_space<vmem>>, vector<256x1xf32>
      %and3A_90 = arith.andi %and3A_69, %or3A_86 : vector<256x2048xi1>
      %jit3A = arith.constant 1.000000e+00 : f32
      %jit3A_91 = arith.constant 0.000000e+00 : f32
      %broadcast_in_dim3A = vector.broadcast %jit3A : f32 to vector<256x2048xf32>
      %broadcast_in_dim3A_92 = vector.broadcast %jit3A_91 : f32 to vector<256x2048xf32>
      %select_n3A = arith.select %and3A_90, %broadcast_in_dim3A, %broadcast_in_dim3A_92 : vector<256x2048xi1>, vector<256x2048xf32>
      %reduce_sum3A = arith.constant dense<0.000000e+00> : vector<256xf32>
      %reduce_sum3A_93 = vector.multi_reduction <add>, %select_n3A, %reduce_sum3A [1] : vector<256x2048xf32> to vector<256xf32>
      %broadcast_in_dim3A_94 = vector.shape_cast %reduce_sum3A_93 : vector<256xf32> to vector<256x1xf32>
      %add3A_95 = arith.addf %get3A_89, %broadcast_in_dim3A_94 : vector<256x1xf32>
      %swap3A = arith.constant 0 : index
      %swap3A_96 = arith.constant 0 : index
      %swap3A_97 = vector.load %arg10[%swap3A, %swap3A_96] : memref<256x1xf32, #tpu.memory_space<vmem>>, vector<256x1xf32>
      tpu.vector_store %arg10[%swap3A, %swap3A_96], %add3A_95 {strides = array<i32>} : memref<256x1xf32, #tpu.memory_space<vmem>>, vector<256x1xf32>,
      %get3A_98 = arith.constant 0 : index
      %get3A_99 = arith.constant 0 : index
      %get3A_100 = vector.load %arg11[%get3A_98, %get3A_99] : memref<256x1xf32, #tpu.memory_space<vmem>>, vector<256x1xf32>
      %jit3A_101 = arith.constant 1.000000e+00 : f32
      %jit3A_102 = arith.constant 0.000000e+00 : f32
      %broadcast_in_dim3A_103 = vector.broadcast %jit3A_101 : f32 to vector<256x2048xf32>
      %broadcast_in_dim3A_104 = vector.broadcast %jit3A_102 : f32 to vector<256x2048xf32>
      %select_n3A_105 = arith.select %and3A_69, %broadcast_in_dim3A_103, %broadcast_in_dim3A_104 : vector<256x2048xi1>, vector<256x2048xf32>
      %reduce_sum3A_106 = arith.constant dense<0.000000e+00> : vector<256xf32>
      %reduce_sum3A_107 = vector.multi_reduction <add>, %select_n3A_105, %reduce_sum3A_106 [1] : vector<256x2048xf32> to vector<256xf32>
      %broadcast_in_dim3A_108 = vector.shape_cast %reduce_sum3A_107 : vector<256xf32> to vector<256x1xf32>
      %add3A_109 = arith.addf %get3A_100, %broadcast_in_dim3A_108 : vector<256x1xf32>
      %swap3A_110 = arith.constant 0 : index
      %swap3A_111 = arith.constant 0 : index
      %swap3A_112 = vector.load %arg11[%swap3A_110, %swap3A_111] : memref<256x1xf32, #tpu.memory_space<vmem>>, vector<256x1xf32>
      tpu.vector_store %arg11[%swap3A_110, %swap3A_111], %add3A_109 {strides = array<i32>} : memref<256x1xf32, #tpu.memory_space<vmem>>, vector<256x1xf32>,
    } else {
    }
    %eq3A_30 = arith.constant 4 : i32
    %eq3A_31 = arith.cmpi eq, %arg1, %eq3A_30 : i32
    %convert_element_type3A_32 = arith.extui %eq3A_31 : i1 to i32
    %cond3A_33 = arith.constant 0 : i32
    %cond3A_34 = arith.cmpi ne, %convert_element_type3A_32, %cond3A_33 : i32
    scf.if %cond3A_34 {
      %get3A_35 = arith.constant 0 : index
      %get3A_36 = arith.constant 0 : index
      %get3A_37 = vector.load %arg11[%get3A_35, %get3A_36] : memref<256x1xf32, #tpu.memory_space<vmem>>, vector<256x1xf32>
      %mul3A = arith.constant 5.000000e-01 : f32
      %mul3A_38 = vector.broadcast %mul3A : f32 to vector<256x1xf32>
      %mul3A_39 = arith.mulf %mul3A_38, %get3A_37 : vector<256x1xf32>
      %ceil3A = math.ceil %mul3A_39 : vector<256x1xf32>
      %get3A_40 = arith.constant 0 : index
      %get3A_41 = arith.constant 0 : index
      %get3A_42 = vector.load %arg5[%get3A_40, %get3A_41] : memref<256x1xf32, #tpu.memory_space<vmem>>, vector<256x1xf32>
      %gt3A = arith.constant 0.000000e+00 : f32
      %gt3A_43 = vector.broadcast %gt3A : f32 to vector<256x1xf32>
      %gt3A_44 = arith.cmpf ogt, %get3A_42, %gt3A_43 : vector<256x1xf32>
      %get3A_45 = arith.constant 0 : index
      %get3A_46 = arith.constant 0 : index
      %get3A_47 = vector.load %arg10[%get3A_45, %get3A_46] : memref<256x1xf32, #tpu.memory_space<vmem>>, vector<256x1xf32>
      %lt3A = arith.cmpf olt, %get3A_47, %ceil3A : vector<256x1xf32>
      %and3A_48 = arith.andi %gt3A_44, %lt3A : vector<256x1xi1>
      %jit3A = arith.constant 1.000000e+00 : f32
      %jit3A_49 = arith.constant 0.000000e+00 : f32
      %broadcast_in_dim3A = vector.broadcast %jit3A : f32 to vector<256x1xf32>
      %broadcast_in_dim3A_50 = vector.broadcast %jit3A_49 : f32 to vector<256x1xf32>
      %select_n3A = arith.select %and3A_48, %broadcast_in_dim3A, %broadcast_in_dim3A_50 : vector<256x1xi1>, vector<256x1xf32>
      %swap3A = arith.constant 0 : index
      %swap3A_51 = arith.constant 0 : index
      %swap3A_52 = vector.load %arg12[%swap3A, %swap3A_51] : memref<256x1xf32, #tpu.memory_space<vmem>>, vector<256x1xf32>
      tpu.vector_store %arg12[%swap3A, %swap3A_51], %select_n3A {strides = array<i32>} : memref<256x1xf32, #tpu.memory_space<vmem>>, vector<256x1xf32>,
    } else {
    }
    return
  }
  func.func @transform_0(%arg0: i32, %arg1: i32) -> (i32, i32) {
    %c0_i32 = arith.constant 0 : i32
    %c0_i32_0 = arith.constant 0 : i32
    return %arg0, %c0_i32 : i32, i32
  }
  func.func @transform_1(%arg0: i32, %arg1: i32) -> (i32, i32) {
    %c0_i32 = arith.constant 0 : i32
    %c0_i32_0 = arith.constant 0 : i32
    return %arg0, %c0_i32 : i32, i32
  }
  func.func @transform_2(%arg0: i32, %arg1: i32) -> (i32, i32) {
    %c0_i32 = arith.constant 0 : i32
    %c0_i32_0 = arith.constant 0 : i32
    return %arg0, %c0_i32 : i32, i32
  }
  func.func @transform_3(%arg0: i32, %arg1: i32) -> (i32, i32) {
    %c0_i32 = arith.constant 0 : i32
    %c0_i32_0 = arith.constant 0 : i32
    return %arg0, %c0_i32 : i32, i32
  }
  func.func @transform_4(%arg0: i32, %arg1: i32) -> (i32, i32, i32) {
    %c0_i32 = arith.constant 0 : i32
    %c0_i32_0 = arith.constant 0 : i32
    %c0_i32_1 = arith.constant 0 : i32
    return %arg1, %c0_i32, %c0_i32_0 : i32, i32, i32
  }
  func.func @transform_5(%arg0: i32, %arg1: i32) -> (i32, i32, i32) {
    %c0_i32 = arith.constant 0 : i32
    %c0_i32_0 = arith.constant 0 : i32
    %c0_i32_1 = arith.constant 0 : i32
    return %arg1, %c0_i32, %c0_i32_0 : i32, i32, i32
  }
  func.func @transform_6(%arg0: i32, %arg1: i32) -> (i32, i32, i32) {
    %c0_i32 = arith.constant 0 : i32
    %c0_i32_0 = arith.constant 0 : i32
    %c0_i32_1 = arith.constant 0 : i32
    return %arg1, %c0_i32, %c0_i32_0 : i32, i32, i32
  }
  func.func @transform_7(%arg0: i32, %arg1: i32) -> (i32, i32, i32) {
    %c0_i32 = arith.constant 0 : i32
    %c0_i32_0 = arith.constant 0 : i32
    %c0_i32_1 = arith.constant 0 : i32
    return %arg1, %c0_i32, %c0_i32_0 : i32, i32, i32
  }
  func.func @transform_8(%arg0: i32, %arg1: i32) -> (i32, i32) {
    %c0_i32 = arith.constant 0 : i32
    %c0_i32_0 = arith.constant 0 : i32
    return %arg0, %c0_i32 : i32, i32
  }
  func.func @transform_9(%arg0: i32, %arg1: i32) -> (i32, i32) {
    %c0_i32 = arith.constant 0 : i32
    %c0_i32_0 = arith.constant 0 : i32
    return %arg0, %c0_i32 : i32, i32
  }
  func.func @transform_10(%arg0: i32, %arg1: i32) -> (i32, i32) {
    %c0_i32 = arith.constant 0 : i32
    %c0_i32_0 = arith.constant 0 : i32
    return %arg0, %c0_i32 : i32, i32
  }
}

module attributes {stable_mosaic.version = 14 : i64} {
  func.func @_k_aggr2(%arg0: i32, %arg1: i32, %arg2: memref<256x2048xf32, #tpu.memory_space<vmem>>, %arg3: memref<2048x256xf32, #tpu.memory_space<vmem>>, %arg4: memref<2048x1xf32, #tpu.memory_space<vmem>>, %arg5: memref<2048x1xf32, #tpu.memory_space<vmem>>, %arg6: memref<1x1x2048xf32, #tpu.memory_space<vmem>>, %arg7: memref<256x1xf32, #tpu.memory_space<vmem>>, %arg8: memref<256x256xf32, #tpu.memory_space<vmem>>, %arg9: memref<256x1xf32, #tpu.memory_space<vmem>>) attributes {dimension_semantics = [#tpu.dimension_semantics<arbitrary>, #tpu.dimension_semantics<arbitrary>], iteration_bounds = array<i64: 40, 5>, scalar_prefetch = 0 : i64, scratch_operands = 0 : i64, tpu.core_type = #tpu.core_type<tc>, window_params = [{transform_indices = @transform_0, window_bounds = array<i64: 256, 2048>}, {transform_indices = @transform_1, window_bounds = array<i64: 2048, 256>}, {transform_indices = @transform_2, window_bounds = array<i64: 2048, 1>}, {transform_indices = @transform_3, window_bounds = array<i64: 2048, 1>}, {transform_indices = @transform_4, window_bounds = array<i64: 1, 1, 2048>}, {transform_indices = @transform_5, window_bounds = array<i64: 256, 1>}, {transform_indices = @transform_6, window_bounds = array<i64: 256, 256>}, {transform_indices = @transform_7, window_bounds = array<i64: 256, 1>}]} {
    %get3A = arith.constant 0 : index
    %get3A_0 = arith.constant 0 : index
    %get3A_1 = vector.load %arg2[%get3A, %get3A_0] : memref<256x2048xf32, #tpu.memory_space<vmem>>, vector<256x2048xf32>
    %get3A_2 = arith.constant 0 : index
    %get3A_3 = arith.constant 0 : index
    %get3A_4 = vector.load %arg5[%get3A_2, %get3A_3] : memref<2048x1xf32, #tpu.memory_space<vmem>>, vector<2048x1xf32>
    %get3A_5 = arith.constant 0 : index
    %get3A_6 = arith.constant 0 : index
    %get3A_7 = vector.load %arg4[%get3A_5, %get3A_6] : memref<2048x1xf32, #tpu.memory_space<vmem>>, vector<2048x1xf32>
    %tanh3A = math.tanh %get3A_7 : vector<2048x1xf32>
    %mul3A = arith.mulf %get3A_4, %tanh3A : vector<2048x1xf32>
    %get3A_8 = arith.constant 0 : index
    %get3A_9 = arith.constant 0 : index
    %get3A_10 = vector.load %arg3[%get3A_8, %get3A_9] : memref<2048x256xf32, #tpu.memory_space<vmem>>, vector<2048x256xf32>
    %mul3A_11 = vector.broadcast %mul3A : vector<2048x1xf32> to vector<2048x256xf32>
    %mul3A_12 = arith.mulf %get3A_10, %mul3A_11 : vector<2048x256xf32>
    %dot_general3A = arith.constant dense<0.000000e+00> : vector<256x256xf32>
    %dot_general3A_13 = tpu.matmul %get3A_1, %mul3A_12, %dot_general3A {dimension_numbers = #tpu.dot_dimension_numbers<[1], [0], [0], [1], [0, 0, 1, 1], [], []>, transpose_lhs_hint = false} : vector<256x2048xf32>, vector<2048x256xf32>, vector<256x256xf32> -> vector<256x256xf32>
    %get3A_14 = arith.constant 0 : index
    %get3A_15 = arith.constant 0 : index
    %get3A_16 = arith.constant 0 : index
    %get3A_17 = vector.load %arg6[%get3A_14, %get3A_15, %get3A_16] : memref<1x1x2048xf32, #tpu.memory_space<vmem>>, vector<1x1x2048xf32>
    %get3A_18 = vector.shape_cast %get3A_17 : vector<1x1x2048xf32> to vector<1x2048xf32>
    %mul3A_19 = vector.broadcast %get3A_18 : vector<1x2048xf32> to vector<256x2048xf32>
    %mul3A_20 = arith.mulf %get3A_1, %mul3A_19 : vector<256x2048xf32>
    %reduce_sum3A = arith.constant dense<0.000000e+00> : vector<256xf32>
    %reduce_sum3A_21 = vector.multi_reduction <add>, %mul3A_20, %reduce_sum3A [1] : vector<256x2048xf32> to vector<256xf32>
    %broadcast_in_dim3A = vector.shape_cast %reduce_sum3A_21 : vector<256xf32> to vector<256x1xf32>
    %eq3A = arith.constant 0 : i32
    %eq3A_22 = arith.cmpi eq, %arg1, %eq3A : i32
    %convert_element_type3A = arith.extui %eq3A_22 : i1 to i32
    %cond3A = arith.constant 0 : i32
    %cond3A_23 = arith.cmpi ne, %convert_element_type3A, %cond3A : i32
    scf.if %cond3A_23 {
      %swap3A = arith.constant 0 : index
      %swap3A_33 = arith.constant 0 : index
      %swap3A_34 = vector.load %arg8[%swap3A, %swap3A_33] : memref<256x256xf32, #tpu.memory_space<vmem>>, vector<256x256xf32>
      tpu.vector_store %arg8[%swap3A, %swap3A_33], %dot_general3A_13 {strides = array<i32>} : memref<256x256xf32, #tpu.memory_space<vmem>>, vector<256x256xf32>,
      %swap3A_35 = arith.constant 0 : index
      %swap3A_36 = arith.constant 0 : index
      %swap3A_37 = vector.load %arg9[%swap3A_35, %swap3A_36] : memref<256x1xf32, #tpu.memory_space<vmem>>, vector<256x1xf32>
      tpu.vector_store %arg9[%swap3A_35, %swap3A_36], %broadcast_in_dim3A {strides = array<i32>} : memref<256x1xf32, #tpu.memory_space<vmem>>, vector<256x1xf32>,
    } else {
    }
    %gt3A = arith.constant 0 : i32
    %gt3A_24 = arith.cmpi sgt, %arg1, %gt3A : i32
    %convert_element_type3A_25 = arith.extui %gt3A_24 : i1 to i32
    %cond3A_26 = arith.constant 0 : i32
    %cond3A_27 = arith.cmpi ne, %convert_element_type3A_25, %cond3A_26 : i32
    scf.if %cond3A_27 {
      %get3A_33 = arith.constant 0 : index
      %get3A_34 = arith.constant 0 : index
      %get3A_35 = vector.load %arg8[%get3A_33, %get3A_34] : memref<256x256xf32, #tpu.memory_space<vmem>>, vector<256x256xf32>
      %add3A = arith.addf %get3A_35, %dot_general3A_13 : vector<256x256xf32>
      %swap3A = arith.constant 0 : index
      %swap3A_36 = arith.constant 0 : index
      %swap3A_37 = vector.load %arg8[%swap3A, %swap3A_36] : memref<256x256xf32, #tpu.memory_space<vmem>>, vector<256x256xf32>
      tpu.vector_store %arg8[%swap3A, %swap3A_36], %add3A {strides = array<i32>} : memref<256x256xf32, #tpu.memory_space<vmem>>, vector<256x256xf32>,
      %get3A_38 = arith.constant 0 : index
      %get3A_39 = arith.constant 0 : index
      %get3A_40 = vector.load %arg9[%get3A_38, %get3A_39] : memref<256x1xf32, #tpu.memory_space<vmem>>, vector<256x1xf32>
      %add3A_41 = arith.addf %get3A_40, %broadcast_in_dim3A : vector<256x1xf32>
      %swap3A_42 = arith.constant 0 : index
      %swap3A_43 = arith.constant 0 : index
      %swap3A_44 = vector.load %arg9[%swap3A_42, %swap3A_43] : memref<256x1xf32, #tpu.memory_space<vmem>>, vector<256x1xf32>
      tpu.vector_store %arg9[%swap3A_42, %swap3A_43], %add3A_41 {strides = array<i32>} : memref<256x1xf32, #tpu.memory_space<vmem>>, vector<256x1xf32>,
    } else {
    }
    %eq3A_28 = arith.constant 4 : i32
    %eq3A_29 = arith.cmpi eq, %arg1, %eq3A_28 : i32
    %convert_element_type3A_30 = arith.extui %eq3A_29 : i1 to i32
    %cond3A_31 = arith.constant 0 : i32
    %cond3A_32 = arith.cmpi ne, %convert_element_type3A_30, %cond3A_31 : i32
    scf.if %cond3A_32 {
      %get3A_33 = arith.constant 0 : index
      %get3A_34 = arith.constant 0 : index
      %get3A_35 = vector.load %arg7[%get3A_33, %get3A_34] : memref<256x1xf32, #tpu.memory_space<vmem>>, vector<256x1xf32>
      %get3A_36 = arith.constant 0 : index
      %get3A_37 = arith.constant 0 : index
      %get3A_38 = vector.load %arg9[%get3A_36, %get3A_37] : memref<256x1xf32, #tpu.memory_space<vmem>>, vector<256x1xf32>
      %mul3A_39 = arith.mulf %get3A_35, %get3A_38 : vector<256x1xf32>
      %get3A_40 = arith.constant 0 : index
      %get3A_41 = arith.constant 0 : index
      %get3A_42 = vector.load %arg8[%get3A_40, %get3A_41] : memref<256x256xf32, #tpu.memory_space<vmem>>, vector<256x256xf32>
      %mul3A_43 = vector.broadcast %get3A_35 : vector<256x1xf32> to vector<256x256xf32>
      %mul3A_44 = arith.mulf %mul3A_43, %get3A_42 : vector<256x256xf32>
      %max3A = arith.constant 1.000000e+00 : f32
      %max3A_45 = vector.broadcast %max3A : f32 to vector<256x1xf32>
      %max3A_46 = arith.maximumf %mul3A_39, %max3A_45 : vector<256x1xf32>
      %div3A = vector.broadcast %max3A_46 : vector<256x1xf32> to vector<256x256xf32>
      %div3A_47 = arith.divf %mul3A_44, %div3A : vector<256x256xf32>
      %swap3A = arith.constant 0 : index
      %swap3A_48 = arith.constant 0 : index
      %swap3A_49 = vector.load %arg8[%swap3A, %swap3A_48] : memref<256x256xf32, #tpu.memory_space<vmem>>, vector<256x256xf32>
      tpu.vector_store %arg8[%swap3A, %swap3A_48], %div3A_47 {strides = array<i32>} : memref<256x256xf32, #tpu.memory_space<vmem>>, vector<256x256xf32>,
    } else {
    }
    return
  }
  func.func @transform_0(%arg0: i32, %arg1: i32) -> (i32, i32) {
    %c0_i32 = arith.constant 0 : i32
    return %arg0, %arg1 : i32, i32
  }
  func.func @transform_1(%arg0: i32, %arg1: i32) -> (i32, i32) {
    %c0_i32 = arith.constant 0 : i32
    %c0_i32_0 = arith.constant 0 : i32
    return %arg1, %c0_i32 : i32, i32
  }
  func.func @transform_2(%arg0: i32, %arg1: i32) -> (i32, i32) {
    %c0_i32 = arith.constant 0 : i32
    %c0_i32_0 = arith.constant 0 : i32
    return %arg1, %c0_i32 : i32, i32
  }
  func.func @transform_3(%arg0: i32, %arg1: i32) -> (i32, i32) {
    %c0_i32 = arith.constant 0 : i32
    %c0_i32_0 = arith.constant 0 : i32
    return %arg1, %c0_i32 : i32, i32
  }
  func.func @transform_4(%arg0: i32, %arg1: i32) -> (i32, i32, i32) {
    %c0_i32 = arith.constant 0 : i32
    %c0_i32_0 = arith.constant 0 : i32
    %c0_i32_1 = arith.constant 0 : i32
    return %arg1, %c0_i32, %c0_i32_0 : i32, i32, i32
  }
  func.func @transform_5(%arg0: i32, %arg1: i32) -> (i32, i32) {
    %c0_i32 = arith.constant 0 : i32
    %c0_i32_0 = arith.constant 0 : i32
    return %arg0, %c0_i32 : i32, i32
  }
  func.func @transform_6(%arg0: i32, %arg1: i32) -> (i32, i32) {
    %c0_i32 = arith.constant 0 : i32
    %c0_i32_0 = arith.constant 0 : i32
    return %arg0, %c0_i32 : i32, i32
  }
  func.func @transform_7(%arg0: i32, %arg1: i32) -> (i32, i32) {
    %c0_i32 = arith.constant 0 : i32
    %c0_i32_0 = arith.constant 0 : i32
    return %arg0, %c0_i32 : i32, i32
  }
}

module attributes {stable_mosaic.version = 14 : i64} {
  func.func @_k_lin2(%arg0: i32, %arg1: memref<256x256xf32, #tpu.memory_space<vmem>>, %arg2: memref<256x256xf32, #tpu.memory_space<vmem>>, %arg3: memref<256x1xf32, #tpu.memory_space<vmem>>, %arg4: memref<256x1xf32, #tpu.memory_space<vmem>>, %arg5: memref<256x512xf32, #tpu.memory_space<vmem>>, %arg6: memref<256x512xf32, #tpu.memory_space<vmem>>, %arg7: memref<1x512xf32, #tpu.memory_space<vmem>>, %arg8: memref<256x512xf32, #tpu.memory_space<vmem>>, %arg9: memref<1x512xf32, #tpu.memory_space<vmem>>, %arg10: memref<1x512xf32, #tpu.memory_space<vmem>>, %arg11: memref<1x1xf32, #tpu.memory_space<vmem>>) attributes {dimension_semantics = [#tpu.dimension_semantics<arbitrary>], iteration_bounds = array<i64: 40>, scalar_prefetch = 0 : i64, scratch_operands = 0 : i64, tpu.core_type = #tpu.core_type<tc>, window_params = [{transform_indices = @transform_0, window_bounds = array<i64: 256, 256>}, {transform_indices = @transform_1, window_bounds = array<i64: 256, 256>}, {transform_indices = @transform_2, window_bounds = array<i64: 256, 1>}, {transform_indices = @transform_3, window_bounds = array<i64: 256, 1>}, {pipeline_mode = #tpu.pipeline_mode<synchronous>, transform_indices = @transform_4, window_bounds = array<i64: 256, 512>}, {pipeline_mode = #tpu.pipeline_mode<synchronous>, transform_indices = @transform_5, window_bounds = array<i64: 256, 512>}, {pipeline_mode = #tpu.pipeline_mode<synchronous>, transform_indices = @transform_6, window_bounds = array<i64: 1, 512>}, {transform_indices = @transform_7, window_bounds = array<i64: 256, 512>}, {pipeline_mode = #tpu.pipeline_mode<synchronous>, transform_indices = @transform_8, window_bounds = array<i64: 1, 512>}, {pipeline_mode = #tpu.pipeline_mode<synchronous>, transform_indices = @transform_9, window_bounds = array<i64: 1, 512>}, {pipeline_mode = #tpu.pipeline_mode<synchronous>, transform_indices = @transform_10, window_bounds = array<i64: 1, 1>}]} {
    %get3A = arith.constant 0 : index
    %get3A_0 = arith.constant 0 : index
    %get3A_1 = vector.load %arg4[%get3A, %get3A_0] : memref<256x1xf32, #tpu.memory_space<vmem>>, vector<256x1xf32>
    %get3A_2 = arith.constant 0 : index
    %get3A_3 = arith.constant 0 : index
    %get3A_4 = vector.load %arg2[%get3A_2, %get3A_3] : memref<256x256xf32, #tpu.memory_space<vmem>>, vector<256x256xf32>
    %get3A_5 = arith.constant 0 : index
    %get3A_6 = arith.constant 0 : index
    %get3A_7 = vector.load %arg3[%get3A_5, %get3A_6] : memref<256x1xf32, #tpu.memory_space<vmem>>, vector<256x1xf32>
    %tanh3A = math.tanh %get3A_7 : vector<256x1xf32>
    %mul3A = arith.mulf %get3A_1, %tanh3A : vector<256x1xf32>
    %mul3A_8 = vector.broadcast %mul3A : vector<256x1xf32> to vector<256x256xf32>
    %mul3A_9 = arith.mulf %get3A_4, %mul3A_8 : vector<256x256xf32>
    %get3A_10 = arith.constant 0 : index
    %get3A_11 = arith.constant 0 : index
    %get3A_12 = vector.load %arg1[%get3A_10, %get3A_11] : memref<256x256xf32, #tpu.memory_space<vmem>>, vector<256x256xf32>
    %get3A_13 = arith.constant 0 : index
    %get3A_14 = arith.constant 0 : index
    %get3A_15 = vector.load %arg5[%get3A_13, %get3A_14] : memref<256x512xf32, #tpu.memory_space<vmem>>, vector<256x512xf32>
    %dot_general3A = arith.constant dense<0.000000e+00> : vector<256x512xf32>
    %dot_general3A_16 = tpu.matmul %get3A_12, %get3A_15, %dot_general3A {dimension_numbers = #tpu.dot_dimension_numbers<[1], [0], [0], [1], [0, 0, 1, 1], [], []>, transpose_lhs_hint = false} : vector<256x256xf32>, vector<256x512xf32>, vector<256x512xf32> -> vector<256x512xf32>
    %get3A_17 = arith.constant 0 : index
    %get3A_18 = arith.constant 0 : index
    %get3A_19 = vector.load %arg6[%get3A_17, %get3A_18] : memref<256x512xf32, #tpu.memory_space<vmem>>, vector<256x512xf32>
    %dot_general3A_20 = arith.constant dense<0.000000e+00> : vector<256x512xf32>
    %dot_general3A_21 = tpu.matmul %mul3A_9, %get3A_19, %dot_general3A_20 {dimension_numbers = #tpu.dot_dimension_numbers<[1], [0], [0], [1], [0, 0, 1, 1], [], []>, transpose_lhs_hint = false} : vector<256x256xf32>, vector<256x512xf32>, vector<256x512xf32> -> vector<256x512xf32>
    %add3A = arith.addf %dot_general3A_16, %dot_general3A_21 : vector<256x512xf32>
    %get3A_22 = arith.constant 0 : index
    %get3A_23 = arith.constant 0 : index
    %get3A_24 = vector.load %arg7[%get3A_22, %get3A_23] : memref<1x512xf32, #tpu.memory_space<vmem>>, vector<1x512xf32>
    %add3A_25 = vector.broadcast %get3A_24 : vector<1x512xf32> to vector<256x512xf32>
    %add3A_26 = arith.addf %add3A, %add3A_25 : vector<256x512xf32>
    %swap3A = arith.constant 0 : index
    %swap3A_27 = arith.constant 0 : index
    %swap3A_28 = vector.load %arg8[%swap3A, %swap3A_27] : memref<256x512xf32, #tpu.memory_space<vmem>>, vector<256x512xf32>
    tpu.vector_store %arg8[%swap3A, %swap3A_27], %add3A_26 {strides = array<i32>} : memref<256x512xf32, #tpu.memory_space<vmem>>, vector<256x512xf32>,
    %eq3A = arith.constant 0 : i32
    %eq3A_29 = arith.cmpi eq, %arg0, %eq3A : i32
    %convert_element_type3A = arith.extui %eq3A_29 : i1 to i32
    %cond3A = arith.constant 0 : i32
    %cond3A_30 = arith.cmpi ne, %convert_element_type3A, %cond3A : i32
    scf.if %cond3A_30 {
      %broadcast_in_dim3A_64 = arith.constant 0.000000e+00 : f32
      %broadcast_in_dim3A_65 = vector.broadcast %broadcast_in_dim3A_64 : f32 to vector<1x512xf32>
      %swap3A_66 = arith.constant 0 : index
      %swap3A_67 = arith.constant 0 : index
      %swap3A_68 = vector.load %arg9[%swap3A_66, %swap3A_67] : memref<1x512xf32, #tpu.memory_space<vmem>>, vector<1x512xf32>
      tpu.vector_store %arg9[%swap3A_66, %swap3A_67], %broadcast_in_dim3A_65 {strides = array<i32>} : memref<1x512xf32, #tpu.memory_space<vmem>>, vector<1x512xf32>,
      %broadcast_in_dim3A_69 = arith.constant 0.000000e+00 : f32
      %broadcast_in_dim3A_70 = vector.broadcast %broadcast_in_dim3A_69 : f32 to vector<1x512xf32>
      %swap3A_71 = arith.constant 0 : index
      %swap3A_72 = arith.constant 0 : index
      %swap3A_73 = vector.load %arg10[%swap3A_71, %swap3A_72] : memref<1x512xf32, #tpu.memory_space<vmem>>, vector<1x512xf32>
      tpu.vector_store %arg10[%swap3A_71, %swap3A_72], %broadcast_in_dim3A_70 {strides = array<i32>} : memref<1x512xf32, #tpu.memory_space<vmem>>, vector<1x512xf32>,
      %broadcast_in_dim3A_74 = arith.constant 0.000000e+00 : f32
      %broadcast_in_dim3A_75 = vector.broadcast %broadcast_in_dim3A_74 : f32 to vector<1x1xf32>
      %swap3A_76 = arith.constant 0 : index
      %swap3A_77 = arith.constant 0 : index
      %swap3A_78 = vector.load %arg11[%swap3A_76, %swap3A_77] : memref<1x1xf32, #tpu.memory_space<vmem>>, vector<1x1xf32>
      tpu.vector_store %arg11[%swap3A_76, %swap3A_77], %broadcast_in_dim3A_75 {strides = array<i32>} : memref<1x1xf32, #tpu.memory_space<vmem>>, vector<1x1xf32>,
    } else {
    }
    %get3A_31 = arith.constant 0 : index
    %get3A_32 = arith.constant 0 : index
    %get3A_33 = vector.load %arg9[%get3A_31, %get3A_32] : memref<1x512xf32, #tpu.memory_space<vmem>>, vector<1x512xf32>
    %mul3A_34 = vector.broadcast %get3A_1 : vector<256x1xf32> to vector<256x512xf32>
    %mul3A_35 = arith.mulf %add3A_26, %mul3A_34 : vector<256x512xf32>
    %reduce_sum3A = arith.constant dense<0.000000e+00> : vector<512xf32>
    %reduce_sum3A_36 = vector.multi_reduction <add>, %mul3A_35, %reduce_sum3A [0] : vector<256x512xf32> to vector<512xf32>
    %broadcast_in_dim3A = vector.shape_cast %reduce_sum3A_36 : vector<512xf32> to vector<1x512xf32>
    %add3A_37 = arith.addf %get3A_33, %broadcast_in_dim3A : vector<1x512xf32>
    %swap3A_38 = arith.constant 0 : index
    %swap3A_39 = arith.constant 0 : index
    %swap3A_40 = vector.load %arg9[%swap3A_38, %swap3A_39] : memref<1x512xf32, #tpu.memory_space<vmem>>, vector<1x512xf32>
    tpu.vector_store %arg9[%swap3A_38, %swap3A_39], %add3A_37 {strides = array<i32>} : memref<1x512xf32, #tpu.memory_space<vmem>>, vector<1x512xf32>,
    %get3A_41 = arith.constant 0 : index
    %get3A_42 = arith.constant 0 : index
    %get3A_43 = vector.load %arg10[%get3A_41, %get3A_42] : memref<1x512xf32, #tpu.memory_space<vmem>>, vector<1x512xf32>
    %mul3A_44 = arith.mulf %add3A_26, %add3A_26 : vector<256x512xf32>
    %mul3A_45 = vector.broadcast %get3A_1 : vector<256x1xf32> to vector<256x512xf32>
    %mul3A_46 = arith.mulf %mul3A_44, %mul3A_45 : vector<256x512xf32>
    %reduce_sum3A_47 = arith.constant dense<0.000000e+00> : vector<512xf32>
    %reduce_sum3A_48 = vector.multi_reduction <add>, %mul3A_46, %reduce_sum3A_47 [0] : vector<256x512xf32> to vector<512xf32>
    %broadcast_in_dim3A_49 = vector.shape_cast %reduce_sum3A_48 : vector<512xf32> to vector<1x512xf32>
    %add3A_50 = arith.addf %get3A_43, %broadcast_in_dim3A_49 : vector<1x512xf32>
    %swap3A_51 = arith.constant 0 : index
    %swap3A_52 = arith.constant 0 : index
    %swap3A_53 = vector.load %arg10[%swap3A_51, %swap3A_52] : memref<1x512xf32, #tpu.memory_space<vmem>>, vector<1x512xf32>
    tpu.vector_store %arg10[%swap3A_51, %swap3A_52], %add3A_50 {strides = array<i32>} : memref<1x512xf32, #tpu.memory_space<vmem>>, vector<1x512xf32>,
    %get3A_54 = arith.constant 0 : index
    %get3A_55 = arith.constant 0 : index
    %get3A_56 = vector.load %arg11[%get3A_54, %get3A_55] : memref<1x1xf32, #tpu.memory_space<vmem>>, vector<1x1xf32>
    %reduce_sum3A_57 = arith.constant dense<0.000000e+00> : vector<1xf32>
    %reduce_sum3A_58 = vector.multi_reduction <add>, %get3A_1, %reduce_sum3A_57 [0] : vector<256x1xf32> to vector<1xf32>
    %broadcast_in_dim3A_59 = vector.shape_cast %reduce_sum3A_58 : vector<1xf32> to vector<1x1xf32>
    %add3A_60 = arith.addf %get3A_56, %broadcast_in_dim3A_59 : vector<1x1xf32>
    %swap3A_61 = arith.constant 0 : index
    %swap3A_62 = arith.constant 0 : index
    %swap3A_63 = vector.load %arg11[%swap3A_61, %swap3A_62] : memref<1x1xf32, #tpu.memory_space<vmem>>, vector<1x1xf32>
    tpu.vector_store %arg11[%swap3A_61, %swap3A_62], %add3A_60 {strides = array<i32>} : memref<1x1xf32, #tpu.memory_space<vmem>>, vector<1x1xf32>,
    return
  }
  func.func @transform_0(%arg0: i32) -> (i32, i32) {
    %c0_i32 = arith.constant 0 : i32
    %c0_i32_0 = arith.constant 0 : i32
    return %arg0, %c0_i32 : i32, i32
  }
  func.func @transform_1(%arg0: i32) -> (i32, i32) {
    %c0_i32 = arith.constant 0 : i32
    %c0_i32_0 = arith.constant 0 : i32
    return %arg0, %c0_i32 : i32, i32
  }
  func.func @transform_2(%arg0: i32) -> (i32, i32) {
    %c0_i32 = arith.constant 0 : i32
    %c0_i32_0 = arith.constant 0 : i32
    return %arg0, %c0_i32 : i32, i32
  }
  func.func @transform_3(%arg0: i32) -> (i32, i32) {
    %c0_i32 = arith.constant 0 : i32
    %c0_i32_0 = arith.constant 0 : i32
    return %arg0, %c0_i32 : i32, i32
  }
  func.func @transform_4(%arg0: i32) -> (i32, i32) {
    %c0_i32 = arith.constant 0 : i32
    %c0_i32_0 = arith.constant 0 : i32
    %c0_i32_1 = arith.constant 0 : i32
    return %c0_i32, %c0_i32_0 : i32, i32
  }
  func.func @transform_5(%arg0: i32) -> (i32, i32) {
    %c0_i32 = arith.constant 0 : i32
    %c0_i32_0 = arith.constant 0 : i32
    %c0_i32_1 = arith.constant 0 : i32
    return %c0_i32, %c0_i32_0 : i32, i32
  }
  func.func @transform_6(%arg0: i32) -> (i32, i32) {
    %c0_i32 = arith.constant 0 : i32
    %c0_i32_0 = arith.constant 0 : i32
    %c0_i32_1 = arith.constant 0 : i32
    return %c0_i32, %c0_i32_0 : i32, i32
  }
  func.func @transform_7(%arg0: i32) -> (i32, i32) {
    %c0_i32 = arith.constant 0 : i32
    %c0_i32_0 = arith.constant 0 : i32
    return %arg0, %c0_i32 : i32, i32
  }
  func.func @transform_8(%arg0: i32) -> (i32, i32) {
    %c0_i32 = arith.constant 0 : i32
    %c0_i32_0 = arith.constant 0 : i32
    %c0_i32_1 = arith.constant 0 : i32
    return %c0_i32, %c0_i32_0 : i32, i32
  }
  func.func @transform_9(%arg0: i32) -> (i32, i32) {
    %c0_i32 = arith.constant 0 : i32
    %c0_i32_0 = arith.constant 0 : i32
    %c0_i32_1 = arith.constant 0 : i32
    return %c0_i32, %c0_i32_0 : i32, i32
  }
  func.func @transform_10(%arg0: i32) -> (i32, i32) {
    %c0_i32 = arith.constant 0 : i32
    %c0_i32_0 = arith.constant 0 : i32
    %c0_i32_1 = arith.constant 0 : i32
    return %c0_i32, %c0_i32_0 : i32, i32
  }
}

module attributes {stable_mosaic.version = 14 : i64} {
  func.func @_k_bn2(%arg0: i32, %arg1: memref<256x512xf32, #tpu.memory_space<vmem>>, %arg2: memref<1x512xf32, #tpu.memory_space<vmem>>, %arg3: memref<1x512xf32, #tpu.memory_space<vmem>>, %arg4: memref<1x1xf32, #tpu.memory_space<vmem>>, %arg5: memref<1x512xf32, #tpu.memory_space<vmem>>, %arg6: memref<1x512xf32, #tpu.memory_space<vmem>>, %arg7: memref<512x1xf32, #tpu.memory_space<vmem>>, %arg8: memref<512x1xf32, #tpu.memory_space<vmem>>, %arg9: memref<256x1xf32, #tpu.memory_space<vmem>>, %arg10: memref<256x512xf32, #tpu.memory_space<vmem>>, %arg11: memref<256x1xf32, #tpu.memory_space<vmem>>, %arg12: memref<256x1xf32, #tpu.memory_space<vmem>>) attributes {dimension_semantics = [#tpu.dimension_semantics<arbitrary>], iteration_bounds = array<i64: 40>, scalar_prefetch = 0 : i64, scratch_operands = 0 : i64, tpu.core_type = #tpu.core_type<tc>, window_params = [{transform_indices = @transform_0, window_bounds = array<i64: 256, 512>}, {pipeline_mode = #tpu.pipeline_mode<synchronous>, transform_indices = @transform_1, window_bounds = array<i64: 1, 512>}, {pipeline_mode = #tpu.pipeline_mode<synchronous>, transform_indices = @transform_2, window_bounds = array<i64: 1, 512>}, {pipeline_mode = #tpu.pipeline_mode<synchronous>, transform_indices = @transform_3, window_bounds = array<i64: 1, 1>}, {pipeline_mode = #tpu.pipeline_mode<synchronous>, transform_indices = @transform_4, window_bounds = array<i64: 1, 512>}, {pipeline_mode = #tpu.pipeline_mode<synchronous>, transform_indices = @transform_5, window_bounds = array<i64: 1, 512>}, {pipeline_mode = #tpu.pipeline_mode<synchronous>, transform_indices = @transform_6, window_bounds = array<i64: 512, 1>}, {pipeline_mode = #tpu.pipeline_mode<synchronous>, transform_indices = @transform_7, window_bounds = array<i64: 512, 1>}, {transform_indices = @transform_8, window_bounds = array<i64: 256, 1>}, {transform_indices = @transform_9, window_bounds = array<i64: 256, 512>}, {transform_indices = @transform_10, window_bounds = array<i64: 256, 1>}, {transform_indices = @transform_11, window_bounds = array<i64: 256, 1>}]} {
    %get3A = arith.constant 0 : index
    %get3A_0 = arith.constant 0 : index
    %get3A_1 = vector.load %arg4[%get3A, %get3A_0] : memref<1x1xf32, #tpu.memory_space<vmem>>, vector<1x1xf32>
    %get3A_2 = arith.constant 0 : index
    %get3A_3 = arith.constant 0 : index
    %get3A_4 = vector.load %arg2[%get3A_2, %get3A_3] : memref<1x512xf32, #tpu.memory_space<vmem>>, vector<1x512xf32>
    %div3A = vector.broadcast %get3A_1 : vector<1x1xf32> to vector<1x512xf32>
    %div3A_5 = arith.divf %get3A_4, %div3A : vector<1x512xf32>
    %get3A_6 = arith.constant 0 : index
    %get3A_7 = arith.constant 0 : index
    %get3A_8 = vector.load %arg3[%get3A_6, %get3A_7] : memref<1x512xf32, #tpu.memory_space<vmem>>, vector<1x512xf32>
    %div3A_9 = vector.broadcast %get3A_1 : vector<1x1xf32> to vector<1x512xf32>
    %div3A_10 = arith.divf %get3A_8, %div3A_9 : vector<1x512xf32>
    %mul3A = arith.mulf %div3A_5, %div3A_5 : vector<1x512xf32>
    %sub3A = arith.subf %div3A_10, %mul3A : vector<1x512xf32>
    %add3A = arith.constant 9.99999974E-6 : f32
    %add3A_11 = vector.broadcast %add3A : f32 to vector<1x512xf32>
    %add3A_12 = arith.addf %sub3A, %add3A_11 : vector<1x512xf32>
    %rsqrt3A = math.rsqrt %add3A_12 : vector<1x512xf32>
    %get3A_13 = arith.constant 0 : index
    %get3A_14 = arith.constant 0 : index
    %get3A_15 = vector.load %arg1[%get3A_13, %get3A_14] : memref<256x512xf32, #tpu.memory_space<vmem>>, vector<256x512xf32>
    %sub3A_16 = vector.broadcast %div3A_5 : vector<1x512xf32> to vector<256x512xf32>
    %sub3A_17 = arith.subf %get3A_15, %sub3A_16 : vector<256x512xf32>
    %mul3A_18 = vector.broadcast %rsqrt3A : vector<1x512xf32> to vector<256x512xf32>
    %mul3A_19 = arith.mulf %sub3A_17, %mul3A_18 : vector<256x512xf32>
    %get3A_20 = arith.constant 0 : index
    %get3A_21 = arith.constant 0 : index
    %get3A_22 = vector.load %arg5[%get3A_20, %get3A_21] : memref<1x512xf32, #tpu.memory_space<vmem>>, vector<1x512xf32>
    %mul3A_23 = vector.broadcast %get3A_22 : vector<1x512xf32> to vector<256x512xf32>
    %mul3A_24 = arith.mulf %mul3A_19, %mul3A_23 : vector<256x512xf32>
    %get3A_25 = arith.constant 0 : index
    %get3A_26 = arith.constant 0 : index
    %get3A_27 = vector.load %arg6[%get3A_25, %get3A_26] : memref<1x512xf32, #tpu.memory_space<vmem>>, vector<1x512xf32>
    %add3A_28 = vector.broadcast %get3A_27 : vector<1x512xf32> to vector<256x512xf32>
    %add3A_29 = arith.addf %mul3A_24, %add3A_28 : vector<256x512xf32>
    %max3A = arith.constant 0.000000e+00 : f32
    %max3A_30 = vector.broadcast %max3A : f32 to vector<256x512xf32>
    %max3A_31 = arith.maximumf %add3A_29, %max3A_30 : vector<256x512xf32>
    %swap3A = arith.constant 0 : index
    %swap3A_32 = arith.constant 0 : index
    %swap3A_33 = vector.load %arg10[%swap3A, %swap3A_32] : memref<256x512xf32, #tpu.memory_space<vmem>>, vector<256x512xf32>
    tpu.vector_store %arg10[%swap3A, %swap3A_32], %max3A_31 {strides = array<i32>} : memref<256x512xf32, #tpu.memory_space<vmem>>, vector<256x512xf32>,
    %get3A_34 = arith.constant 0 : index
    %get3A_35 = arith.constant 0 : index
    %get3A_36 = vector.load %arg9[%get3A_34, %get3A_35] : memref<256x1xf32, #tpu.memory_space<vmem>>, vector<256x1xf32>
    %mul3A_37 = vector.broadcast %get3A_36 : vector<256x1xf32> to vector<256x512xf32>
    %mul3A_38 = arith.mulf %max3A_31, %mul3A_37 : vector<256x512xf32>
    %get3A_39 = arith.constant 0 : index
    %get3A_40 = arith.constant 0 : index
    %get3A_41 = vector.load %arg7[%get3A_39, %get3A_40] : memref<512x1xf32, #tpu.memory_space<vmem>>, vector<512x1xf32>
    %dot_general3A = arith.constant dense<0.000000e+00> : vector<256x1xf32>
    %dot_general3A_42 = tpu.matmul %mul3A_38, %get3A_41, %dot_general3A {dimension_numbers = #tpu.dot_dimension_numbers<[1], [0], [0], [1], [0, 0, 1, 1], [], []>, transpose_lhs_hint = false} : vector<256x512xf32>, vector<512x1xf32>, vector<256x1xf32> -> vector<256x1xf32>
    %swap3A_43 = arith.constant 0 : index
    %swap3A_44 = arith.constant 0 : index
    %swap3A_45 = vector.load %arg11[%swap3A_43, %swap3A_44] : memref<256x1xf32, #tpu.memory_space<vmem>>, vector<256x1xf32>
    tpu.vector_store %arg11[%swap3A_43, %swap3A_44], %dot_general3A_42 {strides = array<i32>} : memref<256x1xf32, #tpu.memory_space<vmem>>, vector<256x1xf32>,
    %get3A_46 = arith.constant 0 : index
    %get3A_47 = arith.constant 0 : index
    %get3A_48 = vector.load %arg8[%get3A_46, %get3A_47] : memref<512x1xf32, #tpu.memory_space<vmem>>, vector<512x1xf32>
    %dot_general3A_49 = arith.constant dense<0.000000e+00> : vector<256x1xf32>
    %dot_general3A_50 = tpu.matmul %max3A_31, %get3A_48, %dot_general3A_49 {dimension_numbers = #tpu.dot_dimension_numbers<[1], [0], [0], [1], [0, 0, 1, 1], [], []>, transpose_lhs_hint = false} : vector<256x512xf32>, vector<512x1xf32>, vector<256x1xf32> -> vector<256x1xf32>
    %swap3A_51 = arith.constant 0 : index
    %swap3A_52 = arith.constant 0 : index
    %swap3A_53 = vector.load %arg12[%swap3A_51, %swap3A_52] : memref<256x1xf32, #tpu.memory_space<vmem>>, vector<256x1xf32>
    tpu.vector_store %arg12[%swap3A_51, %swap3A_52], %dot_general3A_50 {strides = array<i32>} : memref<256x1xf32, #tpu.memory_space<vmem>>, vector<256x1xf32>,
    return
  }
  func.func @transform_0(%arg0: i32) -> (i32, i32) {
    %c0_i32 = arith.constant 0 : i32
    %c0_i32_0 = arith.constant 0 : i32
    return %arg0, %c0_i32 : i32, i32
  }
  func.func @transform_1(%arg0: i32) -> (i32, i32) {
    %c0_i32 = arith.constant 0 : i32
    %c0_i32_0 = arith.constant 0 : i32
    %c0_i32_1 = arith.constant 0 : i32
    return %c0_i32, %c0_i32_0 : i32, i32
  }
  func.func @transform_2(%arg0: i32) -> (i32, i32) {
    %c0_i32 = arith.constant 0 : i32
    %c0_i32_0 = arith.constant 0 : i32
    %c0_i32_1 = arith.constant 0 : i32
    return %c0_i32, %c0_i32_0 : i32, i32
  }
  func.func @transform_3(%arg0: i32) -> (i32, i32) {
    %c0_i32 = arith.constant 0 : i32
    %c0_i32_0 = arith.constant 0 : i32
    %c0_i32_1 = arith.constant 0 : i32
    return %c0_i32, %c0_i32_0 : i32, i32
  }
  func.func @transform_4(%arg0: i32) -> (i32, i32) {
    %c0_i32 = arith.constant 0 : i32
    %c0_i32_0 = arith.constant 0 : i32
    %c0_i32_1 = arith.constant 0 : i32
    return %c0_i32, %c0_i32_0 : i32, i32
  }
  func.func @transform_5(%arg0: i32) -> (i32, i32) {
    %c0_i32 = arith.constant 0 : i32
    %c0_i32_0 = arith.constant 0 : i32
    %c0_i32_1 = arith.constant 0 : i32
    return %c0_i32, %c0_i32_0 : i32, i32
  }
  func.func @transform_6(%arg0: i32) -> (i32, i32) {
    %c0_i32 = arith.constant 0 : i32
    %c0_i32_0 = arith.constant 0 : i32
    %c0_i32_1 = arith.constant 0 : i32
    return %c0_i32, %c0_i32_0 : i32, i32
  }
  func.func @transform_7(%arg0: i32) -> (i32, i32) {
    %c0_i32 = arith.constant 0 : i32
    %c0_i32_0 = arith.constant 0 : i32
    %c0_i32_1 = arith.constant 0 : i32
    return %c0_i32, %c0_i32_0 : i32, i32
  }
  func.func @transform_8(%arg0: i32) -> (i32, i32) {
    %c0_i32 = arith.constant 0 : i32
    %c0_i32_0 = arith.constant 0 : i32
    return %arg0, %c0_i32 : i32, i32
  }
  func.func @transform_9(%arg0: i32) -> (i32, i32) {
    %c0_i32 = arith.constant 0 : i32
    %c0_i32_0 = arith.constant 0 : i32
    return %arg0, %c0_i32 : i32, i32
  }
  func.func @transform_10(%arg0: i32) -> (i32, i32) {
    %c0_i32 = arith.constant 0 : i32
    %c0_i32_0 = arith.constant 0 : i32
    return %arg0, %c0_i32 : i32, i32
  }
  func.func @transform_11(%arg0: i32) -> (i32, i32) {
    %c0_i32 = arith.constant 0 : i32
    %c0_i32_0 = arith.constant 0 : i32
    return %arg0, %c0_i32 : i32, i32
  }
}

module attributes {stable_mosaic.version = 14 : i64} {
  func.func @_k_final(%arg0: i32, %arg1: memref<256x512xf32, #tpu.memory_space<vmem>>, %arg2: memref<256x1xf32, #tpu.memory_space<vmem>>, %arg3: memref<256x1xf32, #tpu.memory_space<vmem>>, %arg4: memref<256x1xi32, #tpu.memory_space<vmem>>, %arg5: memref<512x128xf32, #tpu.memory_space<vmem>>, %arg6: memref<1x128xf32, #tpu.memory_space<vmem>>, %arg7: memref<64x512xf32, #tpu.memory_space<vmem>>, %arg8: memref<64x1xf32, #tpu.memory_space<vmem>>, %arg9: memref<64x128xf32, #tpu.memory_space<vmem>>) attributes {dimension_semantics = [#tpu.dimension_semantics<arbitrary>], iteration_bounds = array<i64: 40>, scalar_prefetch = 0 : i64, scratch_operands = 0 : i64, tpu.core_type = #tpu.core_type<tc>, window_params = [{transform_indices = @transform_0, window_bounds = array<i64: 256, 512>}, {transform_indices = @transform_1, window_bounds = array<i64: 256, 1>}, {transform_indices = @transform_2, window_bounds = array<i64: 256, 1>}, {transform_indices = @transform_3, window_bounds = array<i64: 256, 1>}, {pipeline_mode = #tpu.pipeline_mode<synchronous>, transform_indices = @transform_4, window_bounds = array<i64: 512, 128>}, {pipeline_mode = #tpu.pipeline_mode<synchronous>, transform_indices = @transform_5, window_bounds = array<i64: 1, 128>}, {pipeline_mode = #tpu.pipeline_mode<synchronous>, transform_indices = @transform_6, window_bounds = array<i64: 64, 512>}, {pipeline_mode = #tpu.pipeline_mode<synchronous>, transform_indices = @transform_7, window_bounds = array<i64: 64, 1>}, {pipeline_mode = #tpu.pipeline_mode<synchronous>, transform_indices = @transform_8, window_bounds = array<i64: 64, 128>}]} {
    %eq3A = arith.constant 0 : i32
    %eq3A_0 = arith.cmpi eq, %arg0, %eq3A : i32
    %convert_element_type3A = arith.extui %eq3A_0 : i1 to i32
    %cond3A = arith.constant 0 : i32
    %cond3A_1 = arith.cmpi ne, %convert_element_type3A, %cond3A : i32
    scf.if %cond3A_1 {
      %broadcast_in_dim3A_43 = arith.constant 0.000000e+00 : f32
      %broadcast_in_dim3A_44 = vector.broadcast %broadcast_in_dim3A_43 : f32 to vector<64x512xf32>
      %swap3A_45 = arith.constant 0 : index
      %swap3A_46 = arith.constant 0 : index
      %swap3A_47 = vector.load %arg7[%swap3A_45, %swap3A_46] : memref<64x512xf32, #tpu.memory_space<vmem>>, vector<64x512xf32>
      tpu.vector_store %arg7[%swap3A_45, %swap3A_46], %broadcast_in_dim3A_44 {strides = array<i32>} : memref<64x512xf32, #tpu.memory_space<vmem>>, vector<64x512xf32>,
      %broadcast_in_dim3A_48 = arith.constant 0.000000e+00 : f32
      %broadcast_in_dim3A_49 = vector.broadcast %broadcast_in_dim3A_48 : f32 to vector<64x1xf32>
      %swap3A_50 = arith.constant 0 : index
      %swap3A_51 = arith.constant 0 : index
      %swap3A_52 = vector.load %arg8[%swap3A_50, %swap3A_51] : memref<64x1xf32, #tpu.memory_space<vmem>>, vector<64x1xf32>
      tpu.vector_store %arg8[%swap3A_50, %swap3A_51], %broadcast_in_dim3A_49 {strides = array<i32>} : memref<64x1xf32, #tpu.memory_space<vmem>>, vector<64x1xf32>,
    } else {
    }
    %get3A = arith.constant 0 : index
    %get3A_2 = arith.constant 0 : index
    %get3A_3 = vector.load %arg3[%get3A, %get3A_2] : memref<256x1xf32, #tpu.memory_space<vmem>>, vector<256x1xf32>
    %get3A_4 = arith.constant 0 : index
    %get3A_5 = arith.constant 0 : index
    %get3A_6 = vector.load %arg2[%get3A_4, %get3A_5] : memref<256x1xf32, #tpu.memory_space<vmem>>, vector<256x1xf32>
    %tanh3A = math.tanh %get3A_6 : vector<256x1xf32>
    %mul3A = arith.mulf %get3A_3, %tanh3A : vector<256x1xf32>
    %get3A_7 = arith.constant 0 : index
    %get3A_8 = arith.constant 0 : index
    %get3A_9 = vector.load %arg1[%get3A_7, %get3A_8] : memref<256x512xf32, #tpu.memory_space<vmem>>, vector<256x512xf32>
    %mul3A_10 = vector.broadcast %mul3A : vector<256x1xf32> to vector<256x512xf32>
    %mul3A_11 = arith.mulf %get3A_9, %mul3A_10 : vector<256x512xf32>
    %iota3A = tpu.iota {dimensions = array<i32: 1>} : vector<1x64xi32>
    %get3A_12 = arith.constant 0 : index
    %get3A_13 = arith.constant 0 : index
    %get3A_14 = vector.load %arg4[%get3A_12, %get3A_13] : memref<256x1xi32, #tpu.memory_space<vmem>>, vector<256x1xi32>
    %eq3A_15 = vector.broadcast %get3A_14 : vector<256x1xi32> to vector<256x64xi32>
    %eq3A_16 = vector.broadcast %iota3A : vector<1x64xi32> to vector<256x64xi32>
    %eq3A_17 = arith.cmpi eq, %eq3A_15, %eq3A_16 : vector<256x64xi32>
    %jit3A = arith.constant 1.000000e+00 : f32
    %jit3A_18 = arith.constant 0.000000e+00 : f32
    %broadcast_in_dim3A = vector.broadcast %jit3A : f32 to vector<256x64xf32>
    %broadcast_in_dim3A_19 = vector.broadcast %jit3A_18 : f32 to vector<256x64xf32>
    %select_n3A = arith.select %eq3A_17, %broadcast_in_dim3A, %broadcast_in_dim3A_19 : vector<256x64xi1>, vector<256x64xf32>
    %get3A_20 = arith.constant 0 : index
    %get3A_21 = arith.constant 0 : index
    %get3A_22 = vector.load %arg7[%get3A_20, %get3A_21] : memref<64x512xf32, #tpu.memory_space<vmem>>, vector<64x512xf32>
    %dot_general3A = arith.constant dense<0.000000e+00> : vector<64x512xf32>
    %dot_general3A_23 = tpu.matmul %select_n3A, %mul3A_11, %dot_general3A {dimension_numbers = #tpu.dot_dimension_numbers<[0], [0], [1], [1], [0, 1, 1, 1], [], []>, transpose_lhs_hint = false} : vector<256x64xf32>, vector<256x512xf32>, vector<64x512xf32> -> vector<64x512xf32>
    %add3A = arith.addf %get3A_22, %dot_general3A_23 : vector<64x512xf32>
    %swap3A = arith.constant 0 : index
    %swap3A_24 = arith.constant 0 : index
    %swap3A_25 = vector.load %arg7[%swap3A, %swap3A_24] : memref<64x512xf32, #tpu.memory_space<vmem>>, vector<64x512xf32>
    tpu.vector_store %arg7[%swap3A, %swap3A_24], %add3A {strides = array<i32>} : memref<64x512xf32, #tpu.memory_space<vmem>>, vector<64x512xf32>,
    %get3A_26 = arith.constant 0 : index
    %get3A_27 = arith.constant 0 : index
    %get3A_28 = vector.load %arg8[%get3A_26, %get3A_27] : memref<64x1xf32, #tpu.memory_space<vmem>>, vector<64x1xf32>
    %get3A_29 = arith.constant 0 : index
    %get3A_30 = arith.constant 0 : index
    %get3A_31 = vector.load %arg3[%get3A_29, %get3A_30] : memref<256x1xf32, #tpu.memory_space<vmem>>, vector<256x1xf32>
    %dot_general3A_32 = arith.constant dense<0.000000e+00> : vector<64x1xf32>
    %dot_general3A_33 = tpu.matmul %select_n3A, %get3A_31, %dot_general3A_32 {dimension_numbers = #tpu.dot_dimension_numbers<[0], [0], [1], [1], [0, 1, 1, 1], [], []>, transpose_lhs_hint = false} : vector<256x64xf32>, vector<256x1xf32>, vector<64x1xf32> -> vector<64x1xf32>
    %add3A_34 = arith.addf %get3A_28, %dot_general3A_33 : vector<64x1xf32>
    %swap3A_35 = arith.constant 0 : index
    %swap3A_36 = arith.constant 0 : index
    %swap3A_37 = vector.load %arg8[%swap3A_35, %swap3A_36] : memref<64x1xf32, #tpu.memory_space<vmem>>, vector<64x1xf32>
    tpu.vector_store %arg8[%swap3A_35, %swap3A_36], %add3A_34 {strides = array<i32>} : memref<64x1xf32, #tpu.memory_space<vmem>>, vector<64x1xf32>,
    %eq3A_38 = arith.constant 39 : i32
    %eq3A_39 = arith.cmpi eq, %arg0, %eq3A_38 : i32
    %convert_element_type3A_40 = arith.extui %eq3A_39 : i1 to i32
    %cond3A_41 = arith.constant 0 : i32
    %cond3A_42 = arith.cmpi ne, %convert_element_type3A_40, %cond3A_41 : i32
    scf.if %cond3A_42 {
      %get3A_43 = arith.constant 0 : index
      %get3A_44 = arith.constant 0 : index
      %get3A_45 = vector.load %arg7[%get3A_43, %get3A_44] : memref<64x512xf32, #tpu.memory_space<vmem>>, vector<64x512xf32>
      %get3A_46 = arith.constant 0 : index
      %get3A_47 = arith.constant 0 : index
      %get3A_48 = vector.load %arg8[%get3A_46, %get3A_47] : memref<64x1xf32, #tpu.memory_space<vmem>>, vector<64x1xf32>
      %max3A = arith.constant 1.000000e+00 : f32
      %max3A_49 = vector.broadcast %max3A : f32 to vector<64x1xf32>
      %max3A_50 = arith.maximumf %get3A_48, %max3A_49 : vector<64x1xf32>
      %div3A = vector.broadcast %max3A_50 : vector<64x1xf32> to vector<64x512xf32>
      %div3A_51 = arith.divf %get3A_45, %div3A : vector<64x512xf32>
      %max3A_52 = arith.constant 0.000000e+00 : f32
      %max3A_53 = vector.broadcast %max3A_52 : f32 to vector<64x512xf32>
      %max3A_54 = arith.maximumf %div3A_51, %max3A_53 : vector<64x512xf32>
      %get3A_55 = arith.constant 0 : index
      %get3A_56 = arith.constant 0 : index
      %get3A_57 = vector.load %arg5[%get3A_55, %get3A_56] : memref<512x128xf32, #tpu.memory_space<vmem>>, vector<512x128xf32>
      %dot_general3A_58 = arith.constant dense<0.000000e+00> : vector<64x128xf32>
      %dot_general3A_59 = tpu.matmul %max3A_54, %get3A_57, %dot_general3A_58 {dimension_numbers = #tpu.dot_dimension_numbers<[1], [0], [0], [1], [0, 0, 1, 1], [], []>, transpose_lhs_hint = false} : vector<64x512xf32>, vector<512x128xf32>, vector<64x128xf32> -> vector<64x128xf32>
      %get3A_60 = arith.constant 0 : index
      %get3A_61 = arith.constant 0 : index
      %get3A_62 = vector.load %arg6[%get3A_60, %get3A_61] : memref<1x128xf32, #tpu.memory_space<vmem>>, vector<1x128xf32>
      %add3A_63 = vector.broadcast %get3A_62 : vector<1x128xf32> to vector<64x128xf32>
      %add3A_64 = arith.addf %dot_general3A_59, %add3A_63 : vector<64x128xf32>
      %iota3A_65 = tpu.iota {dimensions = array<i32: 1>} : vector<1x128xi32>
      %lt3A = arith.constant 2 : i32
      %lt3A_66 = vector.broadcast %lt3A : i32 to vector<1x128xi32>
      %lt3A_67 = arith.cmpi slt, %iota3A_65, %lt3A_66 : vector<1x128xi32>
      %jit3A_68 = arith.constant 0xFF800000 : f32
      %broadcast_in_dim3A_69 = vector.shape_cast %lt3A_67 : vector<1x128xi1> to vector<1x128xi1>
      %broadcast_in_dim3A_70 = vector.broadcast %broadcast_in_dim3A_69 : vector<1x128xi1> to vector<64x128xi1>
      %broadcast_in_dim3A_71 = vector.broadcast %jit3A_68 : f32 to vector<64x128xf32>
      %select_n3A_72 = arith.select %broadcast_in_dim3A_70, %add3A_64, %broadcast_in_dim3A_71 : vector<64x128xi1>, vector<64x128xf32>
      %reduce_max3A = arith.constant dense<0xFF800000> : vector<64xf32>
      %reduce_max3A_73 = vector.multi_reduction <maximumf>, %select_n3A_72, %reduce_max3A [1] : vector<64x128xf32> to vector<64xf32>
      %broadcast_in_dim3A_74 = vector.shape_cast %reduce_max3A_73 : vector<64xf32> to vector<64x1xf32>
      %sub3A = vector.broadcast %broadcast_in_dim3A_74 : vector<64x1xf32> to vector<64x128xf32>
      %sub3A_75 = arith.subf %add3A_64, %sub3A : vector<64x128xf32>
      %exp3A = math.exp %sub3A_75 : vector<64x128xf32>
      %jit3A_76 = arith.constant 0.000000e+00 : f32
      %broadcast_in_dim3A_77 = vector.shape_cast %lt3A_67 : vector<1x128xi1> to vector<1x128xi1>
      %broadcast_in_dim3A_78 = vector.broadcast %broadcast_in_dim3A_77 : vector<1x128xi1> to vector<64x128xi1>
      %broadcast_in_dim3A_79 = vector.broadcast %jit3A_76 : f32 to vector<64x128xf32>
      %select_n3A_80 = arith.select %broadcast_in_dim3A_78, %exp3A, %broadcast_in_dim3A_79 : vector<64x128xi1>, vector<64x128xf32>
      %reduce_sum3A = arith.constant dense<0.000000e+00> : vector<64xf32>
      %reduce_sum3A_81 = vector.multi_reduction <add>, %select_n3A_80, %reduce_sum3A [1] : vector<64x128xf32> to vector<64xf32>
      %broadcast_in_dim3A_82 = vector.shape_cast %reduce_sum3A_81 : vector<64xf32> to vector<64x1xf32>
      %div3A_83 = vector.broadcast %broadcast_in_dim3A_82 : vector<64x1xf32> to vector<64x128xf32>
      %div3A_84 = arith.divf %select_n3A_80, %div3A_83 : vector<64x128xf32>
      %swap3A_85 = arith.constant 0 : index
      %swap3A_86 = arith.constant 0 : index
      %swap3A_87 = vector.load %arg9[%swap3A_85, %swap3A_86] : memref<64x128xf32, #tpu.memory_space<vmem>>, vector<64x128xf32>
      tpu.vector_store %arg9[%swap3A_85, %swap3A_86], %div3A_84 {strides = array<i32>} : memref<64x128xf32, #tpu.memory_space<vmem>>, vector<64x128xf32>,
    } else {
    }
    return
  }
  func.func @transform_0(%arg0: i32) -> (i32, i32) {
    %c0_i32 = arith.constant 0 : i32
    %c0_i32_0 = arith.constant 0 : i32
    return %arg0, %c0_i32 : i32, i32
  }
  func.func @transform_1(%arg0: i32) -> (i32, i32) {
    %c0_i32 = arith.constant 0 : i32
    %c0_i32_0 = arith.constant 0 : i32
    return %arg0, %c0_i32 : i32, i32
  }
  func.func @transform_2(%arg0: i32) -> (i32, i32) {
    %c0_i32 = arith.constant 0 : i32
    %c0_i32_0 = arith.constant 0 : i32
    return %arg0, %c0_i32 : i32, i32
  }
  func.func @transform_3(%arg0: i32) -> (i32, i32) {
    %c0_i32 = arith.constant 0 : i32
    %c0_i32_0 = arith.constant 0 : i32
    return %arg0, %c0_i32 : i32, i32
  }
  func.func @transform_4(%arg0: i32) -> (i32, i32) {
    %c0_i32 = arith.constant 0 : i32
    %c0_i32_0 = arith.constant 0 : i32
    %c0_i32_1 = arith.constant 0 : i32
    return %c0_i32, %c0_i32_0 : i32, i32
  }
  func.func @transform_5(%arg0: i32) -> (i32, i32) {
    %c0_i32 = arith.constant 0 : i32
    %c0_i32_0 = arith.constant 0 : i32
    %c0_i32_1 = arith.constant 0 : i32
    return %c0_i32, %c0_i32_0 : i32, i32
  }
  func.func @transform_6(%arg0: i32) -> (i32, i32) {
    %c0_i32 = arith.constant 0 : i32
    %c0_i32_0 = arith.constant 0 : i32
    %c0_i32_1 = arith.constant 0 : i32
    return %c0_i32, %c0_i32_0 : i32, i32
  }
  func.func @transform_7(%arg0: i32) -> (i32, i32) {
    %c0_i32 = arith.constant 0 : i32
    %c0_i32_0 = arith.constant 0 : i32
    %c0_i32_1 = arith.constant 0 : i32
    return %c0_i32, %c0_i32_0 : i32, i32
  }
  func.func @transform_8(%arg0: i32) -> (i32, i32) {
    %c0_i32 = arith.constant 0 : i32
    %c0_i32_0 = arith.constant 0 : i32
    %c0_i32_1 = arith.constant 0 : i32
    return %c0_i32, %c0_i32_0 : i32, i32
  }
}

</mosaic_0001>

<sc_bundles>
// kernel: scatter_offload_async_start
scs
__scs_entry_jumppad:
0x0: {  	(pc) =	sbr.rel $0x88, $3  }
0x1: {  	(tag) =	ssettag $0x0;
	lr =	simm.s32 $0x1  }
0x2: {  	[smem:$0x3F8C] =	sst lr;
	_ =	strace $0xD0000000  }
0x3: {  	_ = 	snop  }
0x4: {  	_ = 	snop  }
0x5: {  	_ = 	snop  }
0x6: {  	_ = 	snop  }
0x7: {  	_ = 	snop  }
__scs_overlays_trampoline_lowered:
0x8: {  	[smem:$0x3F9B] =	sst s0  }
0x9: {  	[smem:$0x3F9C] =	sst s1  }
0xa: {  	[smem:$0x3F9D] =	sst s2  }
0xb: {  	[smem:$0x3F9E] =	sst s3  }
0xc: {  	[smem:$0x3F9F] =	sst s4  }
0xd: {  	[smem:$0x3FA0] =	sst s5  }
0xe: {  	[smem:$0x3FA1] =	sst s6  }
0xf: {  	[smem:$0x3FA2] =	sst s7  }
0x10: {  	[smem:$0x3FA3] =	sst s8  }
0x11: {  	[smem:$0x3FA4] =	sst s9;
	s0 =	simm.s32 @!p0 $0x0  }
0x12: {  	s1 =	sld [smem:$0x3F8A];
	s0 =	simm.s32 @p0 $0x1  }
0x13: {  	[smem:$0x3FA5] =	sst s0;
	s0 =	simm.s32 @!p1 $0x0  }
0x14: {  	s2 =	sld [smem:$0x3F89];
	s0 =	simm.s32 @p1 $0x1  }
0x15: {  	[smem:$0x3FA6] =	sst s0;
	s0 =	simm.s32 @!p2 $0x0  }
0x16: {  	s3 =	sld [smem:$0x3FDB];
	s0 =	simm.s32 @p2 $0x1  }
0x17: {  	s4 =	simm.s32 $0x1BF5;
	[smem:$0x3FA8] =	sst s0  }
0x18: {  	s0 =	sld [smem:$0x3F8B];
	_ =	swait.ge [sflag:s4], $0x0  }
0x19: {  	s7 =	sld [smem:$0x3F8C]  }
0x1a: {  	s8 =	sadd.s32 $0xFFFFE003, lr  }
0x1b: {  	s9 =	sadd.s32 $0xFFFFFEF7, lr;
	s5 =	simm.s32 $0xFFFFFFFF;
	p2 =	slt.u32 s8, $0xFFFFF086  }
0x1c: {  	p1 =	slt.u32 s9, $0xF7A;
	s5 =	simm.s32 @!p2 $0x0  }
0x1d: {  	s5 =	simm.s32 @p1 $0x1;
	p0 =	seq.s32 s7, s2  }
0x1e: {  	s7 =	smul.u32 @!p0 $0xF7A, s2;
	p2 =	seq.s32 @!p0 s5, $0x0  }
0x1f: {  	s9 =	smul.u32 $0xF7A, s1;
	s8 =	simm.s32 @!p0 $0x1BF5;
	p2 =	por !p2, p0  }
0x20: {  	[sflag:s8] =	ssyncset.s32 @!p0 $0xFFFFF086;
	s6 =	sadd.s32 @!p0 s3, s7;
	s7 =	simm.s32 @!p0 $0x108  }
0x21: {  	s3 =	sadd.s32 s3, s9;
	s6 =	sadd.s32 @!p0 $0x88, s6;
	s7 =	simm.s32 @p2 $0x1082  }
0x22: {  	[simem:s7], [sflag:s8] =	dma.local @!p0 [hbm:s6], $0xF7A  }
0x23: {  	s9 =	sor.u32 $0xD0000000, s2;
	s6 =	simm.s32 $0x108;
	_ =	swait.ge @!p0 [sflag:s8], $0x0  }
0x24: {  	s3 =	sadd.s32 $0x88, s3;
	s6 =	simm.s32 @!p1 $0x1082;
	[sflag:s4] =	ssyncset.s32 $0xFFFFF086  }
0x25: {  	[simem:s6], [sflag:s4] =	dma.local [hbm:s3], $0xF7A  }
0x26: {  	[smem:$0x3F8C] =	sst s1;
	(tag) =	ssettag s2;
	_ =	strace s9  }
0x27: {  	s1 =	sld [smem:$0x3F9C]  }
0x28: {  	s2 =	sld [smem:$0x3F9D]  }
0x29: {  	s4 =	sld [smem:$0x3F9F]  }
0x2a: {  	p0 =	seq.s32 s5, $0x0;
	s5 =	sld [smem:$0x3FA0]  }
0x2b: {  	s6 =	sld [smem:$0x3FA1]  }
0x2c: {  	s7 =	sld [smem:$0x3FA2]  }
0x2d: {  	s3 =	simm.s32 $0x108;
	s8 =	sld [smem:$0x3FA3]  }
0x2e: {  	s3 =	simm.s32 @!p0 $0x1082;
	s9 =	sld [smem:$0x3FA4]  }
0x2f: {  	lr =	sadd.s32 s0, s3;
	s0 =	sld [smem:$0x3F9B]  }
0x30: {  	s3 =	sld [smem:$0x3F9E]  }
0x31: {  	[smem:$0x3FA7] =	sst s10  }
0x32: {  	s10 =	sld [smem:$0x3FA5];
	_ =	sdelay $0x3  }
0x33: {  	p0 =	seq.s32 s10, $0x1;
	s10 =	sld [smem:$0x3FA7];
	_ =	sdelay $0x3  }
0x34: {  	[smem:$0x3FA7] =	sst s10  }
0x35: {  	s10 =	sld [smem:$0x3FA6];
	_ =	sdelay $0x3  }
0x36: {  	p1 =	seq.s32 s10, $0x1;
	s10 =	sld [smem:$0x3FA7];
	_ =	sdelay $0x3  }
0x37: {  	[smem:$0x3FA7] =	sst s10  }
0x38: {  	s10 =	sld [smem:$0x3FA8]  }
0x39: {  	_ = 	snop;
	(pc) =	sbr.ind lr, $3  }
0x3a: {  	_ = 	snop  }
0x3b: {  	_ = 	snop  }
0x3c: {  	p2 =	seq.s32 s10, $0x1;
	s10 =	sld [smem:$0x3FA7]  }
0x3d: {  	_ =	shalt  }
0x3e: {  	_ =	shalt  }
0x3f: {  	_ =	shalt  }
0x40: {  	_ =	shalt  }
0x41: {  	_ =	shalt  }
0x42: {  	_ =	shalt  }
0x43: {  	_ =	shalt  }
0x44: {  	_ =	shalt  }
0x45: {  	_ =	shalt  }
0x46: {  	_ =	shalt  }
0x47: {  	_ =	shalt  }
0x48: {  	_ =	shalt  }
0x49: {  	_ =	shalt  }
0x4a: {  	_ =	shalt  }
0x4b: {  	_ =	shalt  }
0x4c: {  	_ =	shalt  }
0x4d: {  	_ =	shalt  }
0x4e: {  	_ =	shalt  }
0x4f: {  	_ =	shalt  }
0x50: {  	_ =	shalt  }
0x51: {  	_ =	shalt  }
0x52: {  	_ =	shalt  }
0x53: {  	_ =	shalt  }
0x54: {  	_ =	shalt  }
0x55: {  	_ =	shalt  }
0x56: {  	_ =	shalt  }
0x57: {  	_ =	shalt  }
0x58: {  	_ =	shalt  }
0x59: {  	_ =	shalt  }
0x5a: {  	_ =	shalt  }
0x5b: {  	_ =	shalt  }
0x5c: {  	_ =	shalt  }
0x5d: {  	_ =	shalt  }
0x5e: {  	_ =	shalt  }
0x5f: {  	_ =	shalt  }
0x60: {  	_ =	shalt  }
0x61: {  	_ =	shalt  }
0x62: {  	_ =	shalt  }
0x63: {  	_ =	shalt  }
0x64: {  	_ =	shalt  }
0x65: {  	_ =	shalt  }
0x66: {  	_ =	shalt  }
0x67: {  	_ =	shalt  }
0x68: {  	_ =	shalt  }
0x69: {  	_ =	shalt  }
0x6a: {  	_ =	shalt  }
0x6b: {  	_ =	shalt  }
0x6c: {  	_ =	shalt  }
0x6d: {  	_ =	shalt  }
0x6e: {  	_ =	shalt  }
0x6f: {  	_ =	shalt  }
0x70: {  	_ =	shalt  }
0x71: {  	_ =	shalt  }
0x72: {  	_ =	shalt  }
0x73: {  	_ =	shalt  }
0x74: {  	_ =	shalt  }
0x75: {  	_ =	shalt  }
0x76: {  	_ =	shalt  }
0x77: {  	_ =	shalt  }
0x78: {  	_ =	shalt  }
0x79: {  	_ =	shalt  }
0x7a: {  	_ =	shalt  }
0x7b: {  	_ =	shalt  }
0x7c: {  	_ =	shalt  }
0x7d: {  	_ =	shalt  }
0x7e: {  	_ =	shalt  }
0x7f: {  	_ =	shalt  }
0x80: {  	_ =	shalt  }
0x81: {  	_ =	shalt  }
0x82: {  	_ =	shalt  }
0x83: {  	_ =	shalt  }
0x84: {  	_ =	shalt  }
0x85: {  	_ =	shalt  }
0x86: {  	_ =	shalt  }
0x87: {  	_ =	shalt  }
.Lfunc_end0:
.L_simem_size_0:
called_computation_lowered:
.L_overlay_start_0:
0x88: {  	s0 =	sld [smem:$0x3FD9]  }
0x89: {  	s1 =	sld [smem:$0x3FFE];
	_ =	sdelay $0x3  }
0x8a: {  	s0 =	sadd.s32 s1, s0  }
0x8b: {  	[smem:$0x3FB3] =	sst s0  }
0x8c: {  	_ = 	snop  }
0x8d: {  	(tm) =	ssettm $0x1  }
0x8e: {  	s15 =	sld [smem:$0x3FFB];
	_ =	sdelay $0x3  }
0x8f: {  	_ =	strace s15  }
0x90: {  	s0 =	sld [smem:$0x3FFC];
	_ =	sdelay $0x3  }
0x91: {  	_ =	strace s0  }
0x92: {  	s0 =	sld [smem:$0x3FFD];
	_ =	sdelay $0x3  }
0x93: {  	_ =	strace s0  }
0x94: {  	_ =	strace $0x8FFFFFFF  }
0x95: {  	s16 =	sld [smem:$0x3FDB];
	_ =	sdelay $0x1  }
0x96: {  	s17 =	simm.s32 $_scs_section_size  }
0x97: {  	s2 =	simm.s32 $_size__tile_overlayer_lowered;
	s3 =	simm.s32 $_tile_overlayer_lowered  }
0x98: {  	s20 =	simm.s32 $0x1BFF;
	s19 =	sshll.u32 s3, $0x1;
	s0 =	sadd.s32 s17, s16  }
0x99: {  	s4 =	simm.s32 $0x0;
	s18 =	sshll.u32 s2, $0x1;
	s2 =	sadd.s32 s19, s0  }
0x9a: {  	[timem:s4], [sflag:s20] =	dma.local [hbm:s2], s18  }
0x9b: {  	_ =	swait.ge [sflag:s20], s18  }
0x9c: {  	s1 =	ssub.s32 $0x0, s18;
	[sflag:s20] =	ssyncset.done $0x0  }
0x9d: {  	[sflag:s20] =	ssyncadd.s32 s1;
	_ =	sdelay $0x1  }
0x9e: {  	s21 =	simm.s32 $0x1B8B  }
0x9f: {  	_ =	swait.ge [sflag:s21], $0x1  }
0xa0: {  	[sflag:s21] =	ssyncset.done $0x0  }
0xa1: {  	s23 =	simm.s32 $0x1B8E;
	s22 =	sld [smem:$0x3FFE];
	[sflag:s21] =	ssyncadd.s32 $0xFFFFFFFF  }
0xa2: {  	s24 =	simm.s32 $execute0_lowered;
	[smem:$0x3FD2] =	sst s23  }
0xa3: {  	s2 =	sshll.u32 s24, $0x1;
	_ =	strace $0x80000046;
	[dreg:$0x1] =	wrdreg $0xFFFFFFFF  }
0xa4: {  	s25 =	simm.s32 $_size_execute0_lowered;
	s0 =	sadd.s32 s0, s2;
	[dreg:$0x0] =	wrdreg $0x0  }
0xa5: {  	s2 =	sshll.u32 s25, $0x1;
	[dreg:$0x2] =	wrdreg s0  }
0xa6: {  	[dreg:$0x3] =	wrdreg s2  }
0xa7: {  	[dreg:$0x4] =	wrdreg $0xC0  }
0xa8: {  	_ =	task [dreg:s4], $0x5FFFF  }
0xa9: {  	[dreg:$0x1] =	wrdreg $0xFFFFFFFF  }
0xaa: {  	[dreg:$0x0] =	wrdreg $0x60  }
0xab: {  	[dreg:$0x2] =	wrdreg s22  }
0xac: {  	[dreg:$0x3] =	wrdreg $0x9  }
0xad: {  	_ =	task.clear_ibuf [dreg:s4], $0x4FFFF;
	_ =	strace $0x90000046  }
0xae: {  	s26 =	simm.s32 $0x9;
	_ =	strace $0x80000048  }
0xaf: {  	_ =	swait.ge [sflag:s26], $0x1  }
0xb0: {  	[sflag:s26] =	ssyncadd.s32 $0xFFFFFFFF  }
0xb1: {  	_ =	strace $0x90000048  }
0xb2: {  	_ =	sfence  }
0xb3: {  	s28 =	sld [smem:$0x0];
	_ =	sdelay $0x1  }
0xb4: {  	s29 =	srdreg.scid  }
0xb5: {  	s30 =	sshll.u32 s29, $0xD;
	s31 =	sshrl.u32 s29, $0x2  }
0xb6: {  	s1 =	sand.u32 $0x1, s29;
	s2 =	sand.u32 $0x4000, s30;
	s0 =	sadd.s32 s31, s28  }
0xb7: {  	s1 =	sor.u32 s2, s1;
	s0 =	sshll.u32 s0, $0x11  }
0xb8: {  	s0 =	sor.u32 s0, s1  }
0xb9: {  	s0 =	sadd.s32 $0x8F2B, s0  }
0xba: {  	[sflag:s0] =	ssyncadd.remote.s32 $0x1  }
0xbb: {  	_ =	sfence.sel $0xFFFF  }
0xbc: {  	[dreg:$0x0] =	wrdreg $0xFFFFFFFF;
	(pc) =	sbr.abs _section_cstart, $3  }
0xbd: {  	[dreg:$0x1] =	wrdreg $0xFFFFFFFF  }
0xbe: {  	_ =	task.clear_ibuf [dreg:s4], $0x2FFFF;
	_ =	strace $0x9FFFFFFF  }
0xbf: {  	(tm) =	ssettm $0x7FFFFFFF  }
tec
execute0_lowered:
.L_overlay_start_1:
0x0: {  	(tag) =	ssettag $0x1  }
0x1: {  	s0 =	rddreg [dreg:$0x0];
	_ =	strace $0x80000047;
	s15 =	stileid.u32  }
0x2: {  	s2 =	simm.s32 $0x1;
	s1 =	smin.u32 s15, $0x8;
	s3 =	sshll.u32 s15, $0x1  }
0x3: {  	v1 =	vimm.s32 $0xFFFFFFFF;
	[sflag:s2] =	ssyncpa.u1 $0x0;
	s1 =	sadd.s32 s1, s3  }
0x4: {  	p0 =	slt.u32 s15, $0x8;
	[tilespmem:$0x10] =	vst v1;
	s4 =	smul.u32 $0x1F40, s1;
	s1 =	simm.s32 $0x5DC0  }
0x5: {  	v0 =	vimm.f32 $0.0e+00;
	[tilespmem:$0x20] =	vst v1;
	s1 =	simm.s32 @!p0 $0x3E80  }
0x6: {  	[tilespmem:$0x30] =	vst v0;
	s1 =	sadd.s32 s1, s4  }
0x7: {  	[tilespmem:$0x40] =	vst v0;
	s5 =	smin.u32 s1, $0x4E200  }
0x8: {  	s7 =	simm.s32 $0x2;
	s8 =	simm.s32 $0x8;
	[tilespmem:$0x50] =	vst v0;
	s9 =	ssub.s32 s5, s4  }
0x9: {  	s31 =	simm.s32 $0x9;
	s16 =	simm.s32 $0x0;
	[tilespmem:$0x60] =	vst v1;
	p0 =	sgt.s32 s9, $0x0  }
0xa: {  	s17 =	simm.s32 $0xF0;
	s18 =	simm.s32 $0xFFFFFFFF;
	[tilespmem:$0x70] =	vst v1;
	s9 =	simm.s32 @!p0 $0x0  }
0xb: {  	s19 =	simm.s32 $0xFFFFC280;
	s20 =	simm.s32 $0xFFFFFFFE;
	[tilespmem:$0x80] =	vst v1;
	s30 =	smulhi.u32 $0x10624DD3, s9  }
0xc: {  	s21 =	simm.s32 $0xF;
	s25 =	simm.s32 $0x0;
	s24 =	simm.s32 $0x0;
	v1 =	vimm.s32 $0x0;
	[tilespmem:$0xB0] =	vst v0  }
0xd: {  	s6 =	sadd.s32 $0xAC400, s0;
	s15 =	sshllo.u32 s15, $0x1;
	[tilespmem:$0x90] =	vst v1;
	s10 =	sshrl.u32 s30, $0x9  }
0xe: {  	[tilespmem:$0xA0] =	vst v1;
	[sflag:s7] =	ssyncpa.u1 $0x0;
	s7 =	simm.s32 $0x7;
	s11 =	smul.u32 $0x1F40, s10  }
.Ltmp0:
0xf: {  	s13 =	sor.u32 $0x80, s3;
	[sflag:s7] =	ssyncpa.u1 $0x0;
	(pc) =	sbr.rel .LBB2_1-.Ltmp0, $4  }
0x10: {  	s14 =	sor.u32 $0x81, s3;
	[sflag:s8] =	ssyncpa.u1 $0x0;
	p0 =	sne.s32 s9, s11  }
0x11: {  	s23 =	smov.u32 s4;
	s1 =	sadd.s32 $0xC0000, s0;
	s2 =	simm.s32 @!p0 $0x0  }
0x12: {  	vm0 =	vmmov $0xffff;
	v2 =	vlaneseq.u32;
	[sflag:s31] =	ssyncpa.u1 $0x0;
	s9 =	sadd.s32 $0xB6200, s0;
	s10 =	sadd.s32 s2, s10  }
0x13: {  	vm1 =	vmxor vm1, vm1;
	vm2 =	vmmov $0x1;
	vm3 =	vcmask $0x3F3C;
	p0 =	por $0x0, $0x0;
	s11 =	sadd.s32 $0x1, s10;
	s12 =	sadd.s32 $0x2, s10  }
.LBB2_9:
0x14: {  	p1 =	slt.u32 s24, $0x3  }
0x15: {  	s0 =	simm.s32 @!p1 $0x2  }
0x16: {  	_ =	swait.ge @!p1 [sflag:s0], $0x1F40  }
0x17: {  	[sflag:s0] =	ssyncset.done @!p1 $0x0  }
0x18: {  	[sflag:s0] =	ssyncadd.s32 @!p1 $0xFFFFE0C0;
	s0 =	simm.s32 @!p1 $0x9  }
0x19: {  	_ =	swait.ge @!p1 [sflag:s0], $0x10  }
0x1a: {  	[sflag:s0] =	ssyncset.done @!p1 $0x0  }
0x1b: {  	[sflag:s0] =	ssyncadd.s32 @!p1 $0xFFFFFFF0;
	p1 =	sne.s32 s24, s12  }
.Ltmp1:
0x1c: {  	s2 =	sadd.s32 $0x1F40, s23;
	(pc) =	sbr.rel @!p1 .LBB2_10-.Ltmp1, $4  }
0x1d: {  	s22 =	smov.u32 s4;
	s31 =	sadd.s32 $0x1, s24;
	s17 =	sadd.s32 $0x1F40, s17  }
0x1e: {  	s18 =	sadd.s32 $0x1, s18;
	s25 =	smov.u32 s23;
	p2 =	slt.s32 s2, s5  }
0x1f: {  	p0 =	por !p0, !p0;
	s19 =	sadd.s32 $0x1F40, s19;
	s22 =	smov.u32 @p2 s2  }
0x20: {  	s20 =	sadd.s32 $0x1, s20;
	s23 =	smov.u32 s22;
	s24 =	smov.u32 s31  }
.LBB2_1:
0x21: {  	p1 =	sge.u32 s24, s10  }
0x22: {  	s0 =	smulhi.u32 @!p1 $0xAAAAAAAB, s24;
	_ =	sdelay $0x1  }
0x23: {  	s0 =	sshrl.u32 @!p1 s0, $0x1  }
0x24: {  	s0 =	smul.u32 @!p1 $0x3, s0;
	_ =	sdelay $0x1  }
0x25: {  	s0 =	ssub.s32 @!p1 s24, s0  }
0x26: {  	s0 =	smul.u32 @!p1 $0x7D00, s0;
	_ =	sdelay $0x1  }
0x27: {  	s2 =	sshrl.u32 @!p1 s23, $0x3;
	s0 =	sshrl.u32 @!p1 s0, $0x2  }
0x28: {  	s22 =	sand.u32 @!p1 $0x7, s23;
	s2 =	sadd.s32 @!p1 s6, s2;
	s0 =	sadd.s32 @!p1 $0x100, s0  }
0x29: {  	[tilespmem:s0], [sflag:$0x7] =	stream.linear.gather @!p1 [hbm4b:s2+s22], $0x1F40, $0x38;
	[tilespmem:$0x11A60] =	vst v63  }
0x2a: {  	s0 =	sadd.s32 $0xFFFFFFFF, s24  }
0x2b: {  	p1 =	sge.u32 s0, s10  }
.Ltmp2:
0x2c: {  	_ = 	snop;
	(pc) =	sbr.rel @p1 .LBB2_5-.Ltmp2, $1  }
0x2d: {  	_ =	sdelay $0x3  }
0x2e: {  	s2 =	smulhi.u32 $0xAAAAAAAB, s0;
	_ =	sdelay $0x1  }
0x2f: {  	s2 =	sshrl.u32 s2, $0x1  }
0x30: {  	s2 =	smul.u32 $0x3, s2;
	_ =	sdelay $0x1  }
0x31: {  	s2 =	ssub.s32 s0, s2  }
0x32: {  	s2 =	smul.u32 $0x7D00, s2  }
0x33: {  	_ =	swait.ge [sflag:s7], $0x1F40  }
0x34: {  	[sflag:s7] =	ssyncset.done $0x0;
	s2 =	sshrl.u32 s2, $0x2  }
0x35: {  	[sflag:s7] =	ssyncadd.s32 $0xFFFFE0C0;
	(ifvalue) =	ssetifvalue $0xFFFFFFFF;
	v3 =	vld.msk [tilespmem:s2+$0x100 ss:$0x1], $0xffff;
	_ =	sdelay $0x2  }
0x36: {  	s30 =	smulhi.u32 $0xAAAAAAAB, s18;
	p1 =	sne.s32 s24, $0x1  }
0x37: {  	v4 =	vimm.s32 @!p1 $0x0  }
0x38: {  	s2 =	sshrl.u32 s30, $0x1;
	v4 =	vperm.xlane @!p1 v3, v4  }
0x39: {  	s22 =	sshll.u32 s24, $0x4;
	s2 =	smul.u32 $0xFFFE8900, s2;
	vm4 =	vlt.u32 v3, $0x6400000  }
0x3a: {  	s22 =	sand.u32 $0x10, s22;
	v3 =	vnsel vm4, $0xFFFFFFFE, v3;
	vm4 =	vlt.u32 @!p1 v4, $0x6400000  }
0x3b: {  	s2 =	sshra.s32 s2, $0x2;
	[tilespmem:s22+$0x60] =	vst v3;
	v3 =	vnsel @!p1 vm4, $0xFFFFFFFE, v4  }
0x3c: {  	s28 =	sadd.s32 s2, s17;
	[tilespmem:$0x80] =	vst @!p1 v3  }
0x3d: {  	v3 =	vld.msk [tilespmem:s28+$0x0 ss:$0x1], $0xffff;
	_ =	sdelay $0x4  }
0x3e: {  	(xrf1) =	vunique.msk.u32 $0xffff, v3;
	_ =	sdelay $0xd  }
0x3f: {  	v4 =	vimm.s32 $0xFFFFFFFF;
	v5, _, _ =	vpop (xrf1)  }
0x40: {  	vm5 =	vne.s32 v3, v4;
	vm4 =	veq.s32 v5, v2  }
0x41: {  	vm6 =	vlt.u32 v3, $0x6400000;
	vm4 =	vmand vm5, vm4  }
0x42: {  	vm4 =	vmand vm6, vm4  }
0x43: {  	v4 =	vnsel vm4, $0xFFFFFFFF, v3  }
0x44: {  	s31 =	sand.u32 $0x1, s0  }
0x45: {  	s0 =	simm.s32 $0x1F40;
	p1 =	seq.s32 s31, $0x1  }
0x46: {  	s0 =	simm.s32 @!p1 $0x0  }
0x47: {  	s26 =	sadd.s32 $0x7DF0, s0;
	(ifvalue) =	ssetifvalue $0xFFFFFFFF  }
0x48: {  	v3 =	vperm.xlane v3, v1;
	[tilespmem:s26], [sflag:$0x8] =	stream.indirect_vreg.gather [hbm4b:s1+s16], $0x1, v4, vm0, $0x4038;
	v4 =	vnsel vm6, $0xFFFFFFFE, v4;
	[tilespmem:$0x11A60] =	vst v63  }
0x49: {  	s2 =	simm.s32 $0x0;
	s22 =	sadd.s32 $0xFFFFFFF0, s28;
	[tilespmem:s28+$0x0] =	vst v4  }
.LBB2_3:
0x4a: {  	v4 =	vld.msk [tilespmem:s22+$0x0 ss:$0x1], $0xffff;
	s2 =	sadd.s32 $0x10, s2;
	v5 =	vmov v3;
	s28 =	smov.u32 s22  }
0x4b: {  	p1 =	slt.u32 s2, $0x1F30;
	_ =	sdelay $0x4  }
0x4c: {  	v3 =	vperm.xlane v4, v1;
	(xrf1) =	vunique.msk.u32 $0xffff, v4;
	_ =	sdelay $0xd  }
0x4d: {  	v6, _, _ =	vpop (xrf1)  }
0x4e: {  	vm5 =	vne.s32 v4, v5;
	vm4 =	veq.s32 v6, v2  }
0x4f: {  	vm6 =	vlt.u32 v4, $0x6400000;
	vm4 =	vmand vm5, vm4  }
0x50: {  	vm4 =	vmand vm6, vm4  }
0x51: {  	v4 =	vnsel vm4, $0xFFFFFFFF, v4  }
.Ltmp3:
0x52: {  	v5 =	vnsel vm6, $0xFFFFFFFE, v4;
	(pc) =	sbr.rel @p1 .LBB2_3-.Ltmp3, $3  }
0x53: {  	_ =	sdelay $0x1  }
0x54: {  	s22 =	sadd.s32 $0xFFFFFFF0, s22;
	s26 =	sadd.s32 $0xFFFFFFF0, s26;
	(ifvalue) =	ssetifvalue $0xFFFFFFFF  }
0x55: {  	[tilespmem:s26], [sflag:$0x8] =	stream.indirect_vreg.gather [hbm4b:s1+s16], $0x1, v4, vm0, $0x4038;
	[tilespmem:s28+$0x0] =	vst v5  }
0x56: {  	s2 =	sshrl.u32 s25, $0x3  }
0x57: {  	s0 =	sadd.s32 $0x9D40, s0;
	s2 =	sadd.s32 s9, s2  }
0x58: {  	[tilespmem:s0], [sflag:$0x8] =	stream.linear.gather [hbm:s2], $0x1F40, $0x38;
	[tilespmem:$0x11A60] =	vst v63  }
.LBB2_5:
0x59: {  	p1 =	slt.u32 s24, $0x2  }
0x5a: {  	p2 =	sge.u32 @!p1 s24, s12  }
0x5b: {  	p1 =	por p1, p2  }
.Ltmp4:
0x5c: {  	_ = 	snop;
	(pc) =	sbr.rel @p1 .LBB2_9-.Ltmp4, $1  }
0x5d: {  	_ =	sdelay $0x3  }
0x5e: {  	s0 =	sadd.s32 $0xFFFFFFFE, s24  }
0x5f: {  	s2 =	smulhi.u32 $0xAAAAAAAB, s0;
	_ =	sdelay $0x1  }
0x60: {  	s2 =	sshrl.u32 s2, $0x1  }
0x61: {  	s2 =	smul.u32 $0x3, s2;
	_ =	sdelay $0x1  }
0x62: {  	s0 =	ssub.s32 s0, s2  }
0x63: {  	_ =	swait.ge [sflag:s8], $0x3E80;
	s0 =	smul.u32 $0x1F40, s0  }
0x64: {  	p1 =	sne.s32 s24, s11;
	[sflag:s8] =	ssyncset.done $0x0  }
0x65: {  	[sflag:s8] =	ssyncadd.s32 $0xFFFFC180;
	s2 =	sadd.s32 @!p1 $0x203F, s0  }
0x66: {  	[spmem:s14] =	stream.linear.scatter @!p1 [tilespmem:s2], [sflag:$0x1], $0x1, $0x38;
	[tilespmem:$0x11A60] =	vst v63  }
0x67: {  	s2 =	simm.s32 @!p1 $0x1  }
0x68: {  	_ =	swait.ge @!p1 [sflag:s2], $0x1  }
0x69: {  	s22 =	sshll.u32 s24, $0x4;
	[sflag:s2] =	ssyncset.done @!p1 $0x0  }
0x6a: {  	s25 =	sand.u32 $0x10, s22;
	[sflag:s2] =	ssyncadd.s32 @!p1 $0xFFFFFFFF  }
0x6b: {  	s2 =	sxor.u32 $0x10, s25;
	v4 =	vld [tilespmem:s25+$0x10]  }
0x6c: {  	v5 =	vld [tilespmem:s2+$0x60]  }
0x6d: {  	v3 =	vld [tilespmem:$0x80];
	_ =	sdelay $0x2  }
0x6e: {  	(v2sf) =	vpush v4, $0x0  }
0x6f: {  	(v2sf) =	vpush v5, $0x0  }
0x70: {  	(v2sf) =	vpush v3, $0x0;
	_ =	sdelay $0xc  }
0x71: {  	s22 =	spop (v2sf)  }
0x72: {  	s26 =	spop (v2sf)  }
0x73: {  	s28 =	spop (v2sf)  }
0x74: {  	p2 =	seq.s32 s22, s26;
	p3 =	seq.s32 s28, s22  }
0x75: {  	p3 =	por p2, p3  }
0x76: {  	s26 =	sand.u32 $0x1, s24;
	v4 =	vpsel p3, $0xFFFFFFFF, v4  }
0x77: {  	s29 =	smul.u32 $0x1F40, s26;
	[tilespmem:s25+$0x10] =	vst.msk $0x1, v4  }
0x78: {  	v4 =	vld [tilespmem:$0x30]  }
0x79: {  	v5 =	vld [tilespmem:s29+$0x9D40]  }
0x7a: {  	v6 =	vld [tilespmem:s25+$0x40];
	_ =	sdelay $0x3  }
0x7b: {  	vm4 =	vmmov vm1;
	v5 =	vadd.f32 v5, v4  }
0x7c: {  	vm5 =	vmmov vm2;
	vm4 =	vmmov @p2 vm2;
	s22 =	sshll.u32 s26, $0x4;
	v4 =	vadd.f32 v6, v4  }
0x7d: {  	s26 =	sor.u32 $0x11A40, s22;
	vm5 =	vmmov @p3 vm1;
	[tilespmem:s29+$0x9D40] =	vst.msk vm4, v5  }
0x7e: {  	[tilespmem:s26+$0x0] =	vst.msk vm5, v4  }
0x7f: {  	v4 =	vld [tilespmem:s29+$0x7DF0];
	_ =	sdelay $0x3  }
0x80: {  	v5 =	vimm.f32 $0.0e+00  }
0x81: {  	v4 =	vshift.insert v4, v5, s21  }
0x82: {  	s22 =	sor.u32 $0x40, s2  }
0x83: {  	[tilespmem:s22+$0x0] =	vst.msk $0x1, v4  }
0x84: {  	[tilespmem:s29+$0x7DFF] =	vst.msk $0x1, v5  }
0x85: {  	v4 =	vld [tilespmem:s0+$0x2030];
	_ =	sdelay $0x1  }
0x86: {  	s22 =	smulhi.u32 $0xAAAAAAAB, s20;
	s0 =	simm.s32 $0x1  }
0x87: {  	s0 =	simm.s32 @!p0 $0x0  }
0x88: {  	s22 =	sshrl.u32 s22, $0x1;
	s0 =	smul.u32 $0x7D00, s0  }
0x89: {  	s22 =	smul.u32 $0xFFFE8900, s22;
	v4 =	vshift.insert v4, v1, s21  }
0x8a: {  	s0 =	sshrl.u32 s0, $0x2  }
0x8b: {  	s22 =	sshra.s32 s22, $0x2;
	s30 =	sadd.s32 $0x9D40, s0;
	[tilespmem:s2+$0x10] =	vst.msk $0x1, v4  }
0x8c: {  	s22 =	sadd.s32 s22, s19;
	v6 =	vld [tilespmem:s30+$0x0]  }
0x8d: {  	v7 =	vld [tilespmem:s22+$0x0];
	_ =	sdelay $0x3  }
0x8e: {  	v5 =	vadd.f32 v6, v5  }
0x8f: {  	vm4 =	vne.s32 v7, $0xFFFFFFFF  }
0x90: {  	(xrf2) =	vadd.seg.scan.f32 vm4, v5;
	_ =	sdelay $0x3  }
0x91: {  	s31 =	sadd.s32 $0x5EC0, s0;
	v5 =	vperm.xlane v4, v1  }
0x92: {  	v6 =	vld [tilespmem:s31+$0x0]  }
0x93: {  	vm5 =	veq.s32 v7, v3;
	vm6 =	veq.s32 v7, v5  }
0x94: {  	vm7 =	vgt.u32 v7, $0xFFFFFFFD;
	vm6 =	vmor vm6, vm5  }
0x95: {  	vm6 =	vmor vm6, vm7  }
0x96: {  	v9 =	vld [tilespmem:$0xA0];
	v7 =	vsel vm6, $0xFFFFFFFF, v7  }
0x97: {  	v10 =	vld [tilespmem:$0x90];
	v6 =	vsel vm5, $0x0, v6;
	v8, _, _ =	vpop (xrf2)  }
0x98: {  	v6 =	vadd.f32 v8, v6  }
0x99: {  	s0 =	sadd.s32 $0xDBC0, s0  }
0x9a: {  	vm4 =	vmand vm4, vm3;
	[tilespmem:s0+$0x0] =	vst v6;
	(ifvalue) =	ssetifvalue $0xFFFFFFFF  }
0x9b: {  	vm6 =	veq.s32 v9, $0x1;
	[hbm4b:s1+s16] =	stream.indirect_vreg.scatter [tilespmem:s0], [sflag:$0x2], $0x1, v7, vm0, $0x4038;
	v7 =	vsel vm4, $0x0, v8;
	[tilespmem:$0x11A60] =	vst v63  }
0x9c: {  	s2 =	simm.s32 $0x0;
	s22 =	sadd.s32 $0x10, s22;
	vm4 =	vmor vm6, vm5;
	v6 =	vsel vm5, v8, v10;
	v7 =	vshift.insert v7, v0, s21  }
.LBB2_7:
0x9d: {  	v8 =	vld [tilespmem:s22+$0x0];
	s30 =	sadd.s32 $0x10, s30  }
0x9e: {  	s31 =	sadd.s32 $0x10, s31;
	v9 =	vld [tilespmem:s30+$0x0]  }
0x9f: {  	s2 =	sadd.s32 $0x10, s2;
	v10 =	vld [tilespmem:s31+$0x0]  }
0xa0: {  	p2 =	slt.u32 s2, $0x1F30;
	_ =	sdelay $0x2  }
0xa1: {  	v7 =	vadd.f32 v9, v7  }
0xa2: {  	vm5 =	vne.s32 v8, $0xFFFFFFFF  }
0xa3: {  	vm6 =	vmand vm5, vm3;
	(xrf2) =	vadd.seg.scan.f32 vm5, v7;
	_ =	sdelay $0x5  }
0xa4: {  	vm7 =	veq.s32 v8, v5;
	vm5 =	veq.s32 v8, v3  }
0xa5: {  	vm8 =	vgt.u32 v8, $0xFFFFFFFD;
	vm4 =	vmor vm4, vm5;
	vm7 =	vmor vm7, vm5  }
0xa6: {  	vm7 =	vmor vm7, vm8  }
0xa7: {  	v8 =	vsel vm7, $0xFFFFFFFF, v8  }
.Ltmp5:
0xa8: {  	v7 =	vsel vm5, $0x0, v10;
	v9, _, _ =	vpop (xrf2);
	(pc) =	sbr.rel @p2 .LBB2_7-.Ltmp5, $4  }
0xa9: {  	v6 =	vsel vm5, v9, v6;
	v10 =	vadd.f32 v9, v7;
	v7 =	vsel vm6, $0x0, v9  }
0xaa: {  	s0 =	sadd.s32 $0x10, s0;
	v7 =	vshift.insert v7, v0, s21  }
0xab: {  	s22 =	sadd.s32 $0x10, s22;
	[tilespmem:s0+$0x0] =	vst v10;
	(ifvalue) =	ssetifvalue $0xFFFFFFFF  }
0xac: {  	[hbm4b:s1+s16] =	stream.indirect_vreg.scatter [tilespmem:s0], [sflag:$0x2], $0x1, v8, vm0, $0x4038;
	[tilespmem:$0x11A60] =	vst v63  }
0xad: {  	v3 =	vld [tilespmem:s29+$0xFAF0];
	_ =	sdelay $0x4  }
0xae: {  	v3 =	vshift.insert v3, v0, s21  }
0xaf: {  	s0 =	simm.s32 $0x30  }
0xb0: {  	[tilespmem:s0+$0x0] =	vst.msk $0x1, v3  }
0xb1: {  	v3 =	vsel vm4, $0x1, v1;
	[tilespmem:$0x90] =	vst v6  }
0xb2: {  	s0 =	sadd.s32 @!p1 $0xFAFF, s29;
	[tilespmem:$0xA0] =	vst v3  }
0xb3: {  	[spmem:s15] =	stream.linear.scatter @!p1 [tilespmem:s0], [sflag:$0x1], $0x1, $0x38;
	[tilespmem:$0x11A60] =	vst v63  }
0xb4: {  	s0 =	simm.s32 @!p1 $0x1  }
0xb5: {  	v3 =	vmctz.xlane @!p1 vm4;
	_ =	swait.ge @!p1 [sflag:s0], $0x1  }
0xb6: {  	(v2sf) =	vpush @!p1 v4, $0x0  }
0xb7: {  	(v2sf) =	vpush @!p1 v3, $0x0;
	_ =	sdelay $0xd  }
0xb8: {  	s2 =	spop @!p1 (v2sf)  }
0xb9: {  	s22 =	spop @!p1 (v2sf)  }
0xba: {  	p2 =	sne.s32 @!p1 s28, s2;
	p3 =	slt.s32 @!p1 s22, $0xF  }
0xbb: {  	[sflag:s0] =	ssyncset.done @!p1 $0x0;
	p2 =	por p2, p1;
	p3 =	por !p3, p1  }
0xbc: {  	[sflag:s0] =	ssyncadd.s32 @!p1 $0xFFFFFFFF;
	v3 =	vimm.s32 @!p2 $0xFFFFFFFF;
	s22 =	simm.s32 @p3 $0xF  }
0xbd: {  	[tilespmem:$0x80] =	vst @!p2 v3;
	s2 =	sadd.s32 @!p1 $0x90, s22  }
0xbe: {  	[spmem:s3] =	stream.linear.scatter @!p1 [tilespmem:s2], [sflag:$0x1], $0x1, $0x38;
	[tilespmem:$0x11A60] =	vst v63  }
0xbf: {  	_ =	swait.ge @!p1 [sflag:s0], $0x1  }
0xc0: {  	[sflag:s0] =	ssyncset.done @!p1 $0x0  }
0xc1: {  	s2 =	simm.s32 @!p1 $0x80;
	[sflag:s0] =	ssyncadd.s32 @!p1 $0xFFFFFFFF  }
0xc2: {  	[spmem:s13] =	stream.linear.scatter @!p1 [tilespmem:s2], [sflag:$0x1], $0x1, $0x38;
	[tilespmem:$0x11A60] =	vst v63  }
0xc3: {  	_ =	swait.ge @!p1 [sflag:s0], $0x1  }
0xc4: {  	[sflag:s0] =	ssyncset.done @!p1 $0x0  }
0xc5: {  	[sflag:s0] =	ssyncadd.s32 @!p1 $0xFFFFFFFF;
	(ifvalue) =	ssetifvalue $0xFFFFFFFF;
	v3 =	vld [tilespmem:s25+$0x10];
	_ =	sdelay $0x3  }
.Ltmp6:
0xc6: {  	_ = 	snop;
	(pc) =	sbr.rel .LBB2_9-.Ltmp6, $3  }
0xc7: {  	_ =	sdelay $0x1  }
0xc8: {  	(ifvalue) =	ssetifvalue $0xFFFFFFFF  }
0xc9: {  	[hbm4b:s1+s16] =	stream.indirect_vreg.scatter [tilespmem:s26], [sflag:$0x9], $0x1, v3, vm0, $0x4038;
	[tilespmem:$0x11A60] =	vst v63  }
.LBB2_10:
0xca: {  	_ =	sfence.sel $0x180000  }
0xcb: {  	s0 =	simm.s32 $0x7;
	[bflag:$0x0] =	sbarrier.arrive $0xFFFF  }
0xcc: {  	s26 =	simm.s32 $0x8;
	[sflag:s0] =	ssyncpa.u1 $0x1  }
0xcd: {  	s28 =	simm.s32 $0x9;
	[sflag:s26] =	ssyncpa.u1 $0x1  }
0xce: {  	[sflag:s28] =	ssyncpa.u1 $0x1  }
0xcf: {  	_ =	sfence.stream.spmem  }
0xd0: {  	s29 =	simm.s32 $0x3;
	[bflag:$0x0] =	sbarrier.arrive $0xFFFF  }
0xd1: {  	s30 =	simm.s32 $0x4;
	[sflag:s29] =	ssyncpa.u1 $0x1  }
0xd2: {  	s31 =	simm.s32 $0x3C;
	s2 =	stileid.u32;
	[sflag:s30] =	ssyncpa.u1 $0x1  }
0xd3: {  	p0 =	sne.s32 s2, $0x0;
	[sflag:s31] =	ssyncpa.u1 $0x1  }
0xd4: {  	s0 =	simm.s32 @p0 $0x1;
	_ =	sfence @p0  }
0xd5: {  	[sflag:s0] =	ssyncpa.u1 @p0 $0x1;
	s0 =	simm.s32 @p0 $0x2  }
0xd6: {  	[sflag:s0] =	ssyncpa.u1 @p0 $0x1  }
0xd7: {  	_ =	strace @p0 $0x90000047  }
0xd8: {  	[bflag:$0x2] =	sbarrier.arrive @p0 $0xFFFF  }
0xd9: {  	_ =	shalt @p0  }
.LBB2_11:
0xda: {  	_ =	sfence.stream.spmem;
	s0 =	simm.s32 $0x5  }
0xdb: {  	s2 =	simm.s32 $0x80;
	s3 =	simm.s32 $0xC0;
	[sflag:s0] =	ssyncpa.u1 $0x0  }
0xdc: {  	[tilespmem:s3], [sflag:$0x5] =	stream.linear.gather [spmem:s2], $0x20, $0x38;
	[tilespmem:$0x11A60] =	vst v63  }
0xdd: {  	s2 =	simm.s32 $0x0;
	s3 =	simm.s32 $0xE0  }
0xde: {  	[tilespmem:s3], [sflag:$0x5] =	stream.linear.gather [spmem:s2], $0x20, $0x38;
	[tilespmem:$0x11A60] =	vst v63  }
.Ltmp7:
0xdf: {  	_ = 	snop;
	(pc) =	sbr.rel .LBB2_12-.Ltmp7, $4  }
0xe0: {  	_ =	swait.ge [sflag:s0], $0x40  }
0xe1: {  	[sflag:s0] =	ssyncset.done $0x0  }
0xe2: {  	s31 =	simm.s32 $0x6;
	[sflag:s0] =	ssyncadd.s32 $0xFFFFFFC0  }
0xe3: {  	s4 =	simm.s32 $0x0;
	[sflag:s31] =	ssyncpa.u1 $0x0  }
.LBB2_17:
0xe4: {  	p0 =	sgt.u32 s5, $0x63FFFFF  }
0xe5: {  	s0 =	sshrl.u32 @!p0 s5, $0x3  }
0xe6: {  	s5 =	sand.u32 @!p0 $0x7, s5;
	s6 =	simm.s32 @!p0 $0xB0;
	s0 =	sadd.s32 @!p0 s1, s0  }
0xe7: {  	[tilespmem:s6], [sflag:$0x6] =	stream.linear.gather @!p0 [hbm4b:s0+s5], $0x1, $0x38;
	[tilespmem:$0x11A60] =	vst v63  }
0xe8: {  	s0 =	simm.s32 @!p0 $0x6  }
0xe9: {  	_ =	swait.ge @!p0 [sflag:s0], $0x1  }
0xea: {  	[sflag:s0] =	ssyncset.done @!p0 $0x0  }
0xeb: {  	[sflag:s0] =	ssyncadd.s32 @!p0 $0xFFFFFFFF  }
0xec: {  	v2 =	vmov @!p0 s4;
	v1 =	vld.msk @!p0 [tilespmem:$0xB0], $0x1;
	_ =	sdelay $0x3  }
0xed: {  	s0 =	simm.s32 @!p0 $0xE0  }
0xee: {  	[tilespmem:v2+s0+$0x0], v1 =	vst.idx.ret.add.f32.msk @!p0 $0x1, v1  }
0xef: {  	[tilespmem:s2+$0xC0] =	vst.msk $0x1, v0  }
0xf0: {  	v0 =	vld.msk [tilespmem:s4+$0xE0], $0x1;
	_ =	sdelay $0x4  }
0xf1: {  	[tilespmem:s2+$0xE0] =	vst.msk $0x1, v0;
	s2 =	sadd.s32 $0x1, s2  }
.LBB2_19:
0xf2: {  	s4 =	sadd.s32 $0x1, s4  }
0xf3: {  	p0 =	sne.s32 s4, $0x20  }
.Ltmp8:
0xf4: {  	_ = 	snop;
	(pc) =	sbr.rel @!p0 .LBB2_20-.Ltmp8, $1  }
0xf5: {  	_ =	sdelay $0x3  }
.LBB2_12:
0xf6: {  	v0 =	vld.msk [tilespmem:s4+$0xC0], $0x1;
	_ =	sdelay $0x4  }
0xf7: {  	(v2sf) =	vpush v0, $0x0;
	_ =	sdelay $0xe  }
0xf8: {  	s5 =	spop (v2sf)  }
0xf9: {  	p0 =	seq.s32 s5, $0xFFFFFFFF  }
.Ltmp9:
0xfa: {  	_ = 	snop;
	(pc) =	sbr.rel @p0 .LBB2_19-.Ltmp9, $1  }
0xfb: {  	_ =	sdelay $0x3  }
0xfc: {  	p0 =	slt.s32 s2, $0x1  }
.Ltmp10:
0xfd: {  	_ = 	snop;
	(pc) =	sbr.rel @p0 .LBB2_17-.Ltmp10, $1  }
0xfe: {  	_ =	sdelay $0x3  }
0xff: {  	s0 =	simm.s32 $0xC0;
	p0 =	por $0x0, $0x0  }
0x100: {  	v1 =	vld.msk @!p0 [tilespmem:s0+$0x0], $0x1;
	_ =	sdelay $0x4  }
0x101: {  	(v2sf) =	vpush @!p0 v1, $0x0;
	_ =	sdelay $0xd  }
0x102: {  	p2 =	sne.s32 s2, $0x1  }
.Ltmp11:
0x103: {  	s6 =	spop @!p0 (v2sf);
	(pc) =	sbr.rel @!p2 .LBB2_16-.Ltmp11, $4  }
0x104: {  	p1 =	seq.s32 @!p0 s5, s6  }
0x105: {  	s6 =	simm.s32 $0x0;
	p1 =	por !p1, p0  }
0x106: {  	s8 =	simm.s32 $0xFFFFFFFF;
	s6 =	simm.s32 @p1 $0xFFFFFFFF  }
0x107: {  	s7 =	simm.s32 $0x1;
	s6 =	smov.u32 @p0 s8  }
.LBB2_15:
0x108: {  	s8 =	smov.u32 s6;
	p0 =	sne.s32 s6, $0xFFFFFFFF  }
0x109: {  	s0 =	sadd.s32 $0x1, s0;
	s6 =	smov.u32 s7;
	s7 =	sadd.s32 $0x1, s7  }
0x10a: {  	p1 =	sne.s32 s2, s7;
	v1 =	vld.msk @!p0 [tilespmem:s0+$0x0], $0x1;
	_ =	sdelay $0x4  }
0x10b: {  	(v2sf) =	vpush @!p0 v1, $0x0;
	_ =	sdelay $0xe  }
.Ltmp12:
0x10c: {  	s9 =	spop @!p0 (v2sf);
	(pc) =	sbr.rel @p1 .LBB2_15-.Ltmp12, $4  }
0x10d: {  	p2 =	seq.s32 @!p0 s5, s9  }
0x10e: {  	p2 =	por !p2, p0  }
0x10f: {  	s6 =	simm.s32 @p2 $0xFFFFFFFF  }
0x110: {  	s6 =	smov.u32 @p0 s8  }
.LBB2_16:
0x111: {  	p0 =	sne.s32 s6, $0xFFFFFFFF  }
.Ltmp13:
0x112: {  	_ = 	snop;
	(pc) =	sbr.rel @!p0 .LBB2_17-.Ltmp13, $1  }
0x113: {  	_ =	sdelay $0x3  }
0x114: {  	v0 =	vld.msk [tilespmem:s4+$0xE0], $0x1;
	v1 =	vmov s6  }
.Ltmp14:
0x115: {  	_ = 	snop;
	(pc) =	sbr.rel .LBB2_19-.Ltmp14, $2  }
0x116: {  	_ =	sdelay $0x2  }
0x117: {  	[tilespmem:v1+s3+$0x0], v0 =	vst.idx.ret.add.f32.msk $0x1, v0  }
.LBB2_20:
0x118: {  	p0 =	slt.s32 s2, $0x1  }
.Ltmp15:
0x119: {  	_ = 	snop;
	(pc) =	sbr.rel @p0 .LBB2_24-.Ltmp15, $3  }
0x11a: {  	_ =	sdelay $0x1  }
0x11b: {  	s0 =	simm.s32 $0x6  }
0x11c: {  	s3 =	simm.s32 $0x0;
	[sflag:s0] =	ssyncpa.u1 $0x1  }
0x11d: {  	s0 =	simm.s32 $0xC0  }
0x11e: {  	v0 =	vld.msk [tilespmem:s0+$0x0], $0x1;
	_ =	sdelay $0x4  }
0x11f: {  	(v2sf) =	vpush v0, $0x0;
	_ =	sdelay $0xe  }
0x120: {  	s2 =	sadd.s32 $0xFFFFFFFF, s2;
	s4 =	spop (v2sf)  }
0x121: {  	p1 =	sne.s32 s2, $0x0;
	p0 =	sgt.u32 s4, $0x63FFFFF  }
.Ltmp16:
0x122: {  	s5 =	sshrl.u32 @!p0 s4, $0x3;
	(pc) =	sbr.rel @!p1 .LBB2_23-.Ltmp16, $4  }
0x123: {  	s0 =	simm.s32 $0xE0;
	s4 =	sand.u32 @!p0 $0x7, s4;
	s5 =	sadd.s32 @!p0 s1, s5  }
0x124: {  	[hbm4b:s5+s4] =	stream.linear.scatter @!p0 [tilespmem:s0], [sflag:$0x5], $0x1, $0x38;
	[tilespmem:$0x11A60] =	vst v63  }
0x125: {  	s5 =	simm.s32 $0x0  }
0x126: {  	s4 =	simm.s32 $0xC1;
	s5 =	simm.s32 @!p0 $0x4  }
.LBB2_22:
0x127: {  	v0 =	vld.msk [tilespmem:s4+$0x0], $0x1;
	s2 =	sadd.s32 $0xFFFFFFFF, s2;
	s3 =	sadd.s32 s3, s5  }
0x128: {  	p0 =	sne.s32 s2, $0x0;
	_ =	sdelay $0x3  }
0x129: {  	(v2sf) =	vpush v0, $0x0;
	_ =	sdelay $0xe  }
.Ltmp17:
0x12a: {  	s6 =	spop (v2sf);
	(pc) =	sbr.rel @p0 .LBB2_22-.Ltmp17, $4  }
0x12b: {  	s5 =	simm.s32 $0x0;
	p1 =	sgt.u32 s6, $0x63FFFFF  }
0x12c: {  	s0 =	sadd.s32 $0x1, s0;
	s5 =	simm.s32 @!p1 $0x4;
	s7 =	sshrl.u32 @!p1 s6, $0x3  }
0x12d: {  	s4 =	sadd.s32 $0x1, s4;
	s6 =	sand.u32 @!p1 $0x7, s6;
	s7 =	sadd.s32 @!p1 s1, s7  }
0x12e: {  	[hbm4b:s7+s6] =	stream.linear.scatter @!p1 [tilespmem:s0], [sflag:$0x5], $0x1, $0x38;
	[tilespmem:$0x11A60] =	vst v63  }
.LBB2_23:
0x12f: {  	s0 =	sadd.s32 s3, s5  }
0x130: {  	s3 =	sshrl.u32 s0, $0x2  }
.LBB2_24:
0x131: {  	s0 =	simm.s32 $0x5  }
0x132: {  	_ =	swait.ge [sflag:s0], s3  }
0x133: {  	s1 =	ssub.s32 $0x0, s3;
	[sflag:s0] =	ssyncset.done $0x0  }
0x134: {  	[sflag:s0] =	ssyncadd.s32 s1  }
0x135: {  	[sflag:s0] =	ssyncpa.u1 $0x1  }
0x136: {  	s29 =	simm.s32 $0x1;
	_ =	sfence  }
0x137: {  	s30 =	simm.s32 $0x2;
	[sflag:s29] =	ssyncpa.u1 $0x1  }
0x138: {  	[sflag:s30] =	ssyncpa.u1 $0x1  }
0x139: {  	_ =	strace $0x90000047  }
0x13a: {  	[bflag:$0x2] =	sbarrier.arrive $0xFFFF  }
0x13b: {  	s31 =	rddreg [dreg:$0x1]  }
0x13c: {  	s0 =	sadd.s32 $0x100000, s31  }
0x13d: {  	[sflag:s0] =	ssyncadd.tile.s32 $0x1;
	_ =	shalt  }
.Lfunc_end2:
_tile_overlayer_lowered:
.L_overlay_start_2:
0x13e: {  	(tag) =	ssettag $0x2  }
0x13f: {  	s0 =	rddreg [dreg:$0x0];
	s2 =	stileid.u32  }
0x140: {  	s1 =	rddreg [dreg:$0x1];
	p0 =	sne.s32 s2, $0x0  }
0x141: {  	s3 =	rddreg [dreg:$0x2];
	[bflag:$0x3] =	sbarrier.arrive $0xFFFF;
	s2 =	simm.s32 @!p0 $0x1C01  }
0x142: {  	[timem:s3], [sflag:s2] =	dma.local @!p0 [hbm:s0], s1  }
0x143: {  	s0 =	simm.s32 @!p0 $0x1  }
0x144: {  	_ =	swait.ge @!p0 [sflag:s0], s1  }
0x145: {  	s1 =	ssub.s32 @!p0 $0x0, s1;
	[sflag:s0] =	ssyncset.done @!p0 $0x0  }
0x146: {  	[sflag:s0] =	ssyncadd.s32 @!p0 s1  }
0x147: {  	[bflag:$0x3] =	sbarrier.arrive $0xFFFF  }
0x148: {  	_ =	shalt  }

</sc_bundles>
